<compile_context>
chip_gen: v7x
topology: tpu7x:2x2x1
jax: 0.10.2.dev20260603
libtpu: 0.0.44.dev20260713+nightly
codegen_flags: <defaults>
</compile_context>

<pallas_src>
import functools

import jax
import jax.numpy as jnp
from jax import lax
from jax.experimental import pallas as pl
from jax.experimental.pallas import tpu as pltpu
from jax.experimental.pallas import tpu_sc as plsc

TOPK = 2
E = 64
D = 2048
T = 8192
BT = 1024
NB = T // BT

NC = 2
NS = 16
L = 16
TPS = T // NS


def _gate_block(x_ref, w_ref, idx_ref, g_ref,
                laux_ref, ent_ref, me_acc, cnt_acc, ent_acc):
    i = pl.program_id(0)

    @pl.when(i == 0)
    def _init():
        me_acc[...] = jnp.zeros_like(me_acc)
        cnt_acc[...] = jnp.zeros_like(cnt_acc)
        ent_acc[0, 0] = 0.0

    logits = lax.dot_general(w_ref[...], x_ref[...],
                             dimension_numbers=(((1,), (1,)), ((), ())),
                             preferred_element_type=jnp.float32)
    m = jnp.max(logits, axis=0, keepdims=True)
    ex = jnp.exp(logits - m)
    gates = ex / jnp.sum(ex, axis=0, keepdims=True)

    eps = float(jnp.finfo(jnp.float32).eps)
    logp = jnp.log(jnp.clip(gates, eps, 1.0))
    ent_acc[0, 0] += -jnp.sum(gates * logp)

    iota = lax.broadcasted_iota(jnp.int32, (E, BT), 0)
    g1 = jnp.max(gates, axis=0, keepdims=True)
    idx1 = jnp.min(jnp.where(gates == g1, iota, E), axis=0, keepdims=True)
    gm = jnp.where(iota == idx1, -1.0, gates)
    g2 = jnp.max(gm, axis=0, keepdims=True)
    idx2 = jnp.min(jnp.where(gm == g2, iota, E), axis=0, keepdims=True)

    oh1 = (iota == idx1).astype(jnp.float32)
    me_acc[...] += jnp.sum(gates, axis=1, keepdims=True)
    cnt_acc[...] += jnp.sum(oh1, axis=1, keepdims=True)

    idx_ref[0, 0] = idx1
    idx_ref[1, 0] = idx2
    g_ref[0, 0] = g1
    g_ref[1, 0] = g2

    @pl.when(i == NB - 1)
    def _fini():
        laux = jnp.sum(me_acc[...] * cnt_acc[...]) * (E / T / T)
        laux_ref[...] = jnp.reshape(laux, (1, 1))
        ent_ref[...] = jnp.reshape(ent_acc[0, 0] * (1.0 / T), (1, 1))


_gate_call = pl.pallas_call(
    _gate_block,
    grid=(NB,),
    in_specs=[
        pl.BlockSpec((BT, D), lambda i: (i, 0)),
        pl.BlockSpec((E, D), lambda i: (0, 0)),
    ],
    out_specs=[
        pl.BlockSpec((TOPK, 1, 1, BT), lambda i: (0, i, 0, 0)),
        pl.BlockSpec((TOPK, 1, 1, BT), lambda i: (0, i, 0, 0)),
        pl.BlockSpec((1, 1), lambda i: (0, 0)),
        pl.BlockSpec((1, 1), lambda i: (0, 0)),
    ],
    out_shape=[
        jax.ShapeDtypeStruct((TOPK, NB, 1, BT), jnp.int32),
        jax.ShapeDtypeStruct((TOPK, NB, 1, BT), jnp.float32),
        jax.ShapeDtypeStruct((1, 1), jnp.float32),
        jax.ShapeDtypeStruct((1, 1), jnp.float32),
    ],
    scratch_shapes=[
        pltpu.VMEM((E, 1), jnp.float32),
        pltpu.VMEM((E, 1), jnp.float32),
        pltpu.SMEM((1, 1), jnp.float32),
    ],
    compiler_params=pltpu.CompilerParams(
        dimension_semantics=("arbitrary",)),
)


def _sc_locations_body(idx_hbm, g_hbm, ind_hbm, loc_hbm, gat_hbm,
                       idx_v, idx0_v, g_v, out_v, ctr_v, ctr0_v, off_v,
                       tbl_v, shared):
    c = lax.axis_index("c")
    s = lax.axis_index("s")

    blk = (s * TPS) // BT
    boff = (s * TPS) % BT
    pltpu.sync_copy(idx_hbm.at[c, blk, 0, pl.ds(boff, TPS)], idx_v)
    pltpu.sync_copy(g_hbm.at[c, blk, 0, pl.ds(boff, TPS)], g_v)

    zeros16 = jnp.zeros((L,), jnp.int32)
    for k in range(E // L):
        ctr_v[pl.ds(k * L, L)] = zeros16
        ctr0_v[pl.ds(k * L, L)] = zeros16

    @pl.when(c == 1)
    def _():
        pltpu.sync_copy(idx_hbm.at[0, blk, 0, pl.ds(boff, TPS)], idx0_v)

        def _p0(i, carry):
            v = idx0_v[pl.ds(i * L, L)]
            occ, last = plsc.scan_count(v)
            base = plsc.load_gather(ctr0_v, [v])
            plsc.store_scatter(ctr0_v, [v], base + occ, mask=last)
            return carry

        lax.fori_loop(0, TPS // L, _p0, 0)

    def _p1(i, carry):
        v = idx_v[pl.ds(i * L, L)]
        occ, last = plsc.scan_count(v)
        base = plsc.load_gather(ctr_v, [v])
        loc = base + occ - 1
        out_v[pl.ds(i * L, L)] = loc
        plsc.store_scatter(ctr_v, [v], loc + 1, mask=last)
        return carry

    lax.fori_loop(0, TPS // L, _p1, 0)

    pltpu.sync_copy(ctr_v, shared.at[pl.ds(s * E, E)])
    pltpu.sync_copy(ctr0_v, shared.at[pl.ds((NS + s) * E, E)])
    plsc.subcore_barrier()
    pltpu.sync_copy(shared, tbl_v)

    is_core1 = (c == 1).astype(jnp.int32)
    for k in range(E // L):
        acc0 = zeros16
        off = zeros16
        for r in range(NS):
            off = off + jnp.where(r < s, tbl_v[pl.ds(r * E + k * L, L)], 0)
            acc0 = acc0 + tbl_v[pl.ds((NS + r) * E + k * L, L)]
        off_v[pl.ds(k * L, L)] = off + acc0 * is_core1

    def _p2(i, carry):
        v = idx_v[pl.ds(i * L, L)]
        out_v[pl.ds(i * L, L)] = out_v[pl.ds(i * L, L)] + \
            plsc.load_gather(off_v, [v])
        return carry

    lax.fori_loop(0, TPS // L, _p2, 0)

    pltpu.sync_copy(out_v, loc_hbm.at[c, pl.ds(s * TPS, TPS)])
    pltpu.sync_copy(idx_v, ind_hbm.at[c, pl.ds(s * TPS, TPS)])
    pltpu.sync_copy(g_v, gat_hbm.at[c, pl.ds(s * TPS, TPS)])


@functools.cache
def _sc_locations():
    return pl.kernel(
        _sc_locations_body,
        out_type=[
            jax.ShapeDtypeStruct((TOPK, T), jnp.int32),
            jax.ShapeDtypeStruct((TOPK, T), jnp.int32),
            jax.ShapeDtypeStruct((TOPK, T), jnp.float32),
        ],
        mesh=plsc.VectorSubcoreMesh(
            core_axis_name="c", subcore_axis_name="s",
            num_cores=NC, num_subcores=NS),
        scratch_types=[
            pltpu.VMEM((TPS,), jnp.int32),
            pltpu.VMEM((TPS,), jnp.int32),
            pltpu.VMEM((TPS,), jnp.float32),
            pltpu.VMEM((TPS,), jnp.int32),
            pltpu.VMEM((E,), jnp.int32),
            pltpu.VMEM((E,), jnp.int32),
            pltpu.VMEM((E,), jnp.int32),
            pltpu.VMEM((2 * NS * E,), jnp.int32),
            pltpu.VMEM_SHARED((2 * NS * E,), jnp.int32),
        ],
        compiler_params=pltpu.CompilerParams(needs_layout_passes=False),
    )


def kernel(input, W):
    idx, g, laux, ent = _gate_call(input, W)
    indices_s, locations_s, gates_s = _sc_locations()(idx, g)
    return (laux[0, 0], ent[0, 0], indices_s, locations_s, gates_s)

# --- scband reference (transcript-rebuilt; emitter-appended) ---
"""Pipeline reference for scband-topk-gate-37022618091811 (READ-ONLY COPY).

The authoritative reference and input builder live on the scoring server;
editing this copy changes nothing except your own understanding.
"""

import jax, jax.numpy as jnp
import numpy as np

TOP_K = 2
NUM_EXPERTS = 64
MODEL_DIM = 2048
NUM_TOKENS = 8192


def _one_hot(idx, n, dtype):
    return jax.nn.one_hot(idx, n, dtype=dtype)


def setup_inputs(seed: int = 0):
    key = jax.random.key(seed)
    k1, k2 = jax.random.split(key)
    x = jax.random.normal(k1, (NUM_TOKENS, MODEL_DIM), dtype=jnp.float32)
    # wg: torch.nn.Linear(model_dim, num_experts, bias=False) -> weight [E, D]
    W = jax.random.normal(k2, (NUM_EXPERTS, MODEL_DIM), dtype=jnp.float32) * (1.0 / np.sqrt(MODEL_DIM))
    return {"input": x, "W": W}


def reference(input, W):
    # logits = self.wg(input)
    logits = input @ W.T
    gates = jax.nn.softmax(logits, axis=1)
    # metadata['entropy_gating'] = entropy(probs=gates).mean()
    eps = jnp.finfo(gates.dtype).eps
    logp = jnp.log(jnp.clip(gates, eps, 1.0))
    ent = -(gates * logp).sum(-1).mean()
    num_tokens, num_experts = gates.shape
    _, topk_idx = jax.lax.top_k(gates, TOP_K)  # [T, top_k]
    masks_se = [_one_hot(topk_idx[:, k], num_experts, gates.dtype) for k in range(TOP_K)]
    gates_s = [(gates * m).sum(axis=1) for m in masks_se]
    # gshard_loss
    mask0 = _one_hot(topk_idx[:, 0], num_experts, gates.dtype) * (num_experts / num_tokens)
    me = gates.sum(axis=0)
    ce = mask0.sum(axis=0)
    l_aux = (me * ce).sum() / num_tokens
    # fused_cumsum_sub_one(x) = cumsum(x, dim=0) - 1
    locations1 = jnp.cumsum(masks_se[0], axis=0) - 1
    locations_s = [(locations1 * masks_se[0]).sum(axis=1).astype(jnp.int32)]
    acc_base = None
    for k in range(1, TOP_K):
        part = masks_se[k - 1].sum(axis=0, keepdims=True)
        acc_base = part if acc_base is None else acc_base + part
        locations2 = (jnp.cumsum(masks_se[k], axis=0) - 1) + acc_base
        locations_s.append((locations2 * masks_se[k]).sum(axis=1).astype(jnp.int32))
    indices_s = topk_idx.T.astype(jnp.int32)  # [top_k, T]
    # capacity = top_k * ceil(T / E) is a python int constant (training mode): 2 * 128 = 256
    return (l_aux, ent, indices_s, jnp.stack(locations_s, axis=0), jnp.stack(gates_s, axis=0))

if __name__ == "__main__":
    import jax
    _d = setup_inputs()
    print(jax.jit(kernel)(*tuple(_d.values())))

</pallas_src>

<mosaic_0001>
#map = affine_map<(d0, d1) -> (0, 0, 0, 0)>
#map1 = affine_map<(d0, d1) -> (0, 0)>
module attributes {stable_mosaic.version = 14 : i64} {
  func.func @_sc_locations_body(%arg0: i32, %arg1: i32, %arg2: memref<2x8x1x1024xi32, #tpu.memory_space<hbm>>, %arg3: memref<2x8x1x1024xf32, #tpu.memory_space<hbm>>, %arg4: memref<2x8192xi32, #tpu.memory_space<hbm>>, %arg5: memref<2x8192xi32, #tpu.memory_space<hbm>>, %arg6: memref<2x8192xf32, #tpu.memory_space<hbm>>, %arg7: memref<512xi32, #tpu.memory_space<vmem>>, %arg8: memref<512xi32, #tpu.memory_space<vmem>>, %arg9: memref<512xf32, #tpu.memory_space<vmem>>, %arg10: memref<512xi32, #tpu.memory_space<vmem>>, %arg11: memref<64xi32, #tpu.memory_space<vmem>>, %arg12: memref<64xi32, #tpu.memory_space<vmem>>, %arg13: memref<64xi32, #tpu.memory_space<vmem>>, %arg14: memref<2048xi32, #tpu.memory_space<vmem>>, %arg15: memref<2048xi32, #tpu.memory_space<vmem_shared>>) attributes {dimension_semantics = [#tpu.dimension_semantics<core_parallel>, #tpu.dimension_semantics<subcore_parallel>], iteration_bounds = array<i64: 2, 16>, scalar_prefetch = 0 : i64, scratch_operands = 9 : i64, tpu.core_type = #tpu.core_type<sc_vector_subcore>, window_params = [{transform_indices = #map}, {transform_indices = #map}, {transform_indices = #map1}, {transform_indices = #map1}, {transform_indices = #map1}]} {
    %mul3A = arith.constant 512 : i32
    %mul3A_0 = arith.muli %arg1, %mul3A : i32
    %jit3A = arith.constant 1024 : i32
    %div3A = arith.divsi %mul3A_0, %jit3A : i32
    %sign3A = arith.constant 0 : i32
    %sign3A_1 = arith.cmpi sgt, %mul3A_0, %sign3A : i32
    %sign3A_2 = arith.extui %sign3A_1 : i1 to i32
    %sign3A_3 = arith.constant 0 : i32
    %sign3A_4 = arith.cmpi slt, %mul3A_0, %sign3A_3 : i32
    %sign3A_5 = arith.extui %sign3A_4 : i1 to i32
    %sign3A_6 = arith.subi %sign3A_2, %sign3A_5 : i32
    %sign3A_7 = arith.constant 0 : i32
    %sign3A_8 = arith.cmpi sgt, %jit3A, %sign3A_7 : i32
    %sign3A_9 = arith.extui %sign3A_8 : i1 to i32
    %sign3A_10 = arith.constant 0 : i32
    %sign3A_11 = arith.cmpi slt, %jit3A, %sign3A_10 : i32
    %sign3A_12 = arith.extui %sign3A_11 : i1 to i32
    %sign3A_13 = arith.subi %sign3A_9, %sign3A_12 : i32
    %ne3A = arith.cmpi ne, %sign3A_6, %sign3A_13 : i32
    %rem3A = arith.remsi %mul3A_0, %jit3A : i32
    %ne3A_14 = arith.constant 0 : i32
    %ne3A_15 = arith.cmpi ne, %rem3A, %ne3A_14 : i32
    %and3A = arith.andi %ne3A, %ne3A_15 : i1
    %sub3A = arith.constant 1 : i32
    %sub3A_16 = arith.subi %div3A, %sub3A : i32
    %select_n3A = arith.select %and3A, %sub3A_16, %div3A : i32
    %mul3A_17 = arith.constant 512 : i32
    %mul3A_18 = arith.muli %arg1, %mul3A_17 : i32
    %jit3A_19 = arith.constant 1024 : i32
    %eq3A = arith.constant 0 : i32
    %eq3A_20 = arith.cmpi eq, %jit3A_19, %eq3A : i32
    %jit3A_21 = arith.constant 1 : i32
    %select_n3A_22 = arith.select %eq3A_20, %jit3A_21, %jit3A_19 : i32
    %rem3A_23 = arith.remsi %mul3A_18, %select_n3A_22 : i32
    %ne3A_24 = arith.constant 0 : i32
    %ne3A_25 = arith.cmpi ne, %rem3A_23, %ne3A_24 : i32
    %lt3A = arith.constant 0 : i32
    %lt3A_26 = arith.cmpi slt, %rem3A_23, %lt3A : i32
    %lt3A_27 = arith.constant 0 : i32
    %lt3A_28 = arith.cmpi slt, %select_n3A_22, %lt3A_27 : i32
    %ne3A_29 = arith.xori %lt3A_26, %lt3A_28 : i1
    %and3A_30 = arith.andi %ne3A_29, %ne3A_25 : i1
    %add3A = arith.addi %rem3A_23, %select_n3A_22 : i32
    %select_n3A_31 = arith.select %and3A_30, %add3A, %rem3A_23 : i32
    %run_scoped3A = arith.constant 0 : i32
    "tpu.region"() ({
      %run_scoped3A_800 = tpu.sem_alloc : memref<!tpu.dma_semaphore, #tpu.memory_space<semaphore_mem>>
      %dma_start3A = tpu.memref_slice %arg2[%arg0, %select_n3A, %run_scoped3A, %select_n3A_31] : memref<2x8x1x1024xi32, #tpu.memory_space<hbm>> -> memref<1x1x1x512xi32, #tpu.memory_space<hbm>>
      %dma_start3A_801 = tpu.memref_squeeze %dma_start3A : memref<1x1x1x512xi32, #tpu.memory_space<hbm>> -> memref<512xi32, #tpu.memory_space<hbm>>
      %dma_start3A_802 = tpu.memref_slice %arg2[%arg0, %select_n3A, %run_scoped3A, %select_n3A_31] : memref<2x8x1x1024xi32, #tpu.memory_space<hbm>> -> memref<1x1x1x512xi32, #tpu.memory_space<hbm>>
      %dma_start3A_803 = tpu.memref_squeeze %dma_start3A_802 : memref<1x1x1x512xi32, #tpu.memory_space<hbm>> -> memref<512xi32, #tpu.memory_space<hbm>>
      tpu.enqueue_dma source(%dma_start3A_803 : memref<512xi32, #tpu.memory_space<hbm>>) target(%arg7 : memref<512xi32, #tpu.memory_space<vmem>>) target_semaphore(%run_scoped3A_800 : memref<!tpu.dma_semaphore, #tpu.memory_space<semaphore_mem>>)
      %dma_wait3A = tpu.memref_slice %arg2[%arg0, %select_n3A, %run_scoped3A, %select_n3A_31] : memref<2x8x1x1024xi32, #tpu.memory_space<hbm>> -> memref<1x1x1x512xi32, #tpu.memory_space<hbm>>
      %dma_wait3A_804 = tpu.memref_squeeze %dma_wait3A : memref<1x1x1x512xi32, #tpu.memory_space<hbm>> -> memref<512xi32, #tpu.memory_space<hbm>>
      %dma_wait3A_805 = tpu.memref_slice %arg2[%arg0, %select_n3A, %run_scoped3A, %select_n3A_31] : memref<2x8x1x1024xi32, #tpu.memory_space<hbm>> -> memref<1x1x1x512xi32, #tpu.memory_space<hbm>>
      %dma_wait3A_806 = tpu.memref_squeeze %dma_wait3A_805 : memref<1x1x1x512xi32, #tpu.memory_space<hbm>> -> memref<512xi32, #tpu.memory_space<hbm>>
      tpu.wait_dma2 semaphore(%run_scoped3A_800 : memref<!tpu.dma_semaphore, #tpu.memory_space<semaphore_mem>>) src(%dma_wait3A_806 : memref<512xi32, #tpu.memory_space<hbm>>) dst(%arg7 : memref<512xi32, #tpu.memory_space<vmem>>)
      tpu.yield
    }) : () -> ()
    %run_scoped3A_32 = arith.constant 0 : i32
    "tpu.region"() ({
      %run_scoped3A_800 = tpu.sem_alloc : memref<!tpu.dma_semaphore, #tpu.memory_space<semaphore_mem>>
      %dma_start3A = tpu.memref_slice %arg3[%arg0, %select_n3A, %run_scoped3A_32, %select_n3A_31] : memref<2x8x1x1024xf32, #tpu.memory_space<hbm>> -> memref<1x1x1x512xf32, #tpu.memory_space<hbm>>
      %dma_start3A_801 = tpu.memref_squeeze %dma_start3A : memref<1x1x1x512xf32, #tpu.memory_space<hbm>> -> memref<512xf32, #tpu.memory_space<hbm>>
      %dma_start3A_802 = tpu.memref_slice %arg3[%arg0, %select_n3A, %run_scoped3A_32, %select_n3A_31] : memref<2x8x1x1024xf32, #tpu.memory_space<hbm>> -> memref<1x1x1x512xf32, #tpu.memory_space<hbm>>
      %dma_start3A_803 = tpu.memref_squeeze %dma_start3A_802 : memref<1x1x1x512xf32, #tpu.memory_space<hbm>> -> memref<512xf32, #tpu.memory_space<hbm>>
      tpu.enqueue_dma source(%dma_start3A_803 : memref<512xf32, #tpu.memory_space<hbm>>) target(%arg9 : memref<512xf32, #tpu.memory_space<vmem>>) target_semaphore(%run_scoped3A_800 : memref<!tpu.dma_semaphore, #tpu.memory_space<semaphore_mem>>)
      %dma_wait3A = tpu.memref_slice %arg3[%arg0, %select_n3A, %run_scoped3A_32, %select_n3A_31] : memref<2x8x1x1024xf32, #tpu.memory_space<hbm>> -> memref<1x1x1x512xf32, #tpu.memory_space<hbm>>
      %dma_wait3A_804 = tpu.memref_squeeze %dma_wait3A : memref<1x1x1x512xf32, #tpu.memory_space<hbm>> -> memref<512xf32, #tpu.memory_space<hbm>>
      %dma_wait3A_805 = tpu.memref_slice %arg3[%arg0, %select_n3A, %run_scoped3A_32, %select_n3A_31] : memref<2x8x1x1024xf32, #tpu.memory_space<hbm>> -> memref<1x1x1x512xf32, #tpu.memory_space<hbm>>
      %dma_wait3A_806 = tpu.memref_squeeze %dma_wait3A_805 : memref<1x1x1x512xf32, #tpu.memory_space<hbm>> -> memref<512xf32, #tpu.memory_space<hbm>>
      tpu.wait_dma2 semaphore(%run_scoped3A_800 : memref<!tpu.dma_semaphore, #tpu.memory_space<semaphore_mem>>) src(%dma_wait3A_806 : memref<512xf32, #tpu.memory_space<hbm>>) dst(%arg9 : memref<512xf32, #tpu.memory_space<vmem>>)
      tpu.yield
    }) : () -> ()
    %broadcast_in_dim3A = arith.constant 0 : i32
    %broadcast_in_dim3A_33 = vector.broadcast %broadcast_in_dim3A : i32 to vector<16xi32>
    %swap3A = arith.constant 0 : index
    %swap3A_34 = tpu.vector_load %arg11[%swap3A] {strides = array<i32>} : memref<64xi32, #tpu.memory_space<vmem>>, vector<16xi32>,
    tpu.vector_store %arg11[%swap3A], %broadcast_in_dim3A_33 {strides = array<i32>} : memref<64xi32, #tpu.memory_space<vmem>>, vector<16xi32>,
    %swap3A_35 = arith.constant 0 : index
    %swap3A_36 = tpu.vector_load %arg12[%swap3A_35] {strides = array<i32>} : memref<64xi32, #tpu.memory_space<vmem>>, vector<16xi32>,
    tpu.vector_store %arg12[%swap3A_35], %broadcast_in_dim3A_33 {strides = array<i32>} : memref<64xi32, #tpu.memory_space<vmem>>, vector<16xi32>,
    %swap3A_37 = arith.constant 16 : index
    %swap3A_38 = tpu.vector_load %arg11[%swap3A_37] {strides = array<i32>} : memref<64xi32, #tpu.memory_space<vmem>>, vector<16xi32>,
    tpu.vector_store %arg11[%swap3A_37], %broadcast_in_dim3A_33 {strides = array<i32>} : memref<64xi32, #tpu.memory_space<vmem>>, vector<16xi32>,
    %swap3A_39 = arith.constant 16 : index
    %swap3A_40 = tpu.vector_load %arg12[%swap3A_39] {strides = array<i32>} : memref<64xi32, #tpu.memory_space<vmem>>, vector<16xi32>,
    tpu.vector_store %arg12[%swap3A_39], %broadcast_in_dim3A_33 {strides = array<i32>} : memref<64xi32, #tpu.memory_space<vmem>>, vector<16xi32>,
    %swap3A_41 = arith.constant 32 : index
    %swap3A_42 = tpu.vector_load %arg11[%swap3A_41] {strides = array<i32>} : memref<64xi32, #tpu.memory_space<vmem>>, vector<16xi32>,
    tpu.vector_store %arg11[%swap3A_41], %broadcast_in_dim3A_33 {strides = array<i32>} : memref<64xi32, #tpu.memory_space<vmem>>, vector<16xi32>,
    %swap3A_43 = arith.constant 32 : index
    %swap3A_44 = tpu.vector_load %arg12[%swap3A_43] {strides = array<i32>} : memref<64xi32, #tpu.memory_space<vmem>>, vector<16xi32>,
    tpu.vector_store %arg12[%swap3A_43], %broadcast_in_dim3A_33 {strides = array<i32>} : memref<64xi32, #tpu.memory_space<vmem>>, vector<16xi32>,
    %swap3A_45 = arith.constant 48 : index
    %swap3A_46 = tpu.vector_load %arg11[%swap3A_45] {strides = array<i32>} : memref<64xi32, #tpu.memory_space<vmem>>, vector<16xi32>,
    tpu.vector_store %arg11[%swap3A_45], %broadcast_in_dim3A_33 {strides = array<i32>} : memref<64xi32, #tpu.memory_space<vmem>>, vector<16xi32>,
    %swap3A_47 = arith.constant 48 : index
    %swap3A_48 = tpu.vector_load %arg12[%swap3A_47] {strides = array<i32>} : memref<64xi32, #tpu.memory_space<vmem>>, vector<16xi32>,
    tpu.vector_store %arg12[%swap3A_47], %broadcast_in_dim3A_33 {strides = array<i32>} : memref<64xi32, #tpu.memory_space<vmem>>, vector<16xi32>,
    %eq3A_49 = arith.constant 1 : i32
    %eq3A_50 = arith.cmpi eq, %arg0, %eq3A_49 : i32
    %convert_element_type3A = arith.extui %eq3A_50 : i1 to i32
    %cond3A = arith.constant 0 : i32
    %cond3A_51 = arith.cmpi ne, %convert_element_type3A, %cond3A : i32
    scf.if %cond3A_51 {
      %run_scoped3A_800 = arith.constant 0 : i32
      %run_scoped3A_801 = arith.constant 0 : i32
      "tpu.region"() ({
        %run_scoped3A_808 = tpu.sem_alloc : memref<!tpu.dma_semaphore, #tpu.memory_space<semaphore_mem>>
        %dma_start3A = tpu.memref_slice %arg2[%run_scoped3A_800, %select_n3A, %run_scoped3A_801, %select_n3A_31] : memref<2x8x1x1024xi32, #tpu.memory_space<hbm>> -> memref<1x1x1x512xi32, #tpu.memory_space<hbm>>
        %dma_start3A_809 = tpu.memref_squeeze %dma_start3A : memref<1x1x1x512xi32, #tpu.memory_space<hbm>> -> memref<512xi32, #tpu.memory_space<hbm>>
        %dma_start3A_810 = tpu.memref_slice %arg2[%run_scoped3A_800, %select_n3A, %run_scoped3A_801, %select_n3A_31] : memref<2x8x1x1024xi32, #tpu.memory_space<hbm>> -> memref<1x1x1x512xi32, #tpu.memory_space<hbm>>
        %dma_start3A_811 = tpu.memref_squeeze %dma_start3A_810 : memref<1x1x1x512xi32, #tpu.memory_space<hbm>> -> memref<512xi32, #tpu.memory_space<hbm>>
        tpu.enqueue_dma source(%dma_start3A_811 : memref<512xi32, #tpu.memory_space<hbm>>) target(%arg8 : memref<512xi32, #tpu.memory_space<vmem>>) target_semaphore(%run_scoped3A_808 : memref<!tpu.dma_semaphore, #tpu.memory_space<semaphore_mem>>)
        %dma_wait3A = tpu.memref_slice %arg2[%run_scoped3A_800, %select_n3A, %run_scoped3A_801, %select_n3A_31] : memref<2x8x1x1024xi32, #tpu.memory_space<hbm>> -> memref<1x1x1x512xi32, #tpu.memory_space<hbm>>
        %dma_wait3A_812 = tpu.memref_squeeze %dma_wait3A : memref<1x1x1x512xi32, #tpu.memory_space<hbm>> -> memref<512xi32, #tpu.memory_space<hbm>>
        %dma_wait3A_813 = tpu.memref_slice %arg2[%run_scoped3A_800, %select_n3A, %run_scoped3A_801, %select_n3A_31] : memref<2x8x1x1024xi32, #tpu.memory_space<hbm>> -> memref<1x1x1x512xi32, #tpu.memory_space<hbm>>
        %dma_wait3A_814 = tpu.memref_squeeze %dma_wait3A_813 : memref<1x1x1x512xi32, #tpu.memory_space<hbm>> -> memref<512xi32, #tpu.memory_space<hbm>>
        tpu.wait_dma2 semaphore(%run_scoped3A_808 : memref<!tpu.dma_semaphore, #tpu.memory_space<semaphore_mem>>) src(%dma_wait3A_814 : memref<512xi32, #tpu.memory_space<hbm>>) dst(%arg8 : memref<512xi32, #tpu.memory_space<vmem>>)
        tpu.yield
      }) : () -> ()
      %scan3A_802 = arith.constant 0 : i32
      %scan3A_803 = arith.constant 0 : i32
      %scan3A_804 = arith.constant 32 : i32
      %scan3A_805 = arith.addi %scan3A_803, %scan3A_804 : i32
      %scan3A_806 = arith.constant 1 : i32
      scf.for %scan3A_808 = %scan3A_803 to %scan3A_805 step %scan3A_806  : i32 {
        %mul3A_809 = arith.constant 16 : i32
        %mul3A_810 = arith.muli %scan3A_808, %mul3A_809 : i32
        %get3A_811 = arith.index_cast %mul3A_810 : i32 to index
        %get3A_812 = tpu.vector_load %arg8[%get3A_811] {strides = array<i32>} : memref<512xi32, #tpu.memory_space<vmem>>, vector<16xi32>,
        %broadcast_in_dim3A_813 = arith.constant true
        %broadcast_in_dim3A_814 = vector.broadcast %broadcast_in_dim3A_813 : i1 to vector<16xi1>
        %unique3A, %unique3A_815 = tpu.scan_count mask(%broadcast_in_dim3A_814 : vector<16xi1>) value(%get3A_812 : vector<16xi32>) : vector<16xi1>, vector<16xi32>
        %gather3A = tpu.vector_load_idx %arg12[%get3A_812] : memref<64xi32, #tpu.memory_space<vmem>>[vector<16xi32>], vector<16xi32>,
        %add3A_816 = arith.addi %gather3A, %unique3A_815 : vector<16xi32>
        tpu.vector_store_idx %arg12[%get3A_812], %add3A_816 masked %unique3A : memref<64xi32, #tpu.memory_space<vmem>>[vector<16xi32>], vector<16xi32>, vector<16xi1>
      }
      %scan3A_807 = arith.constant 32 : i32
    } else {
    }
    %scan3A = arith.constant 0 : i32
    %scan3A_52 = arith.constant 0 : i32
    %scan3A_53 = arith.constant 32 : i32
    %scan3A_54 = arith.addi %scan3A_52, %scan3A_53 : i32
    %scan3A_55 = arith.constant 1 : i32
    scf.for %scan3A_800 = %scan3A_52 to %scan3A_54 step %scan3A_55  : i32 {
      %mul3A_801 = arith.constant 16 : i32
      %mul3A_802 = arith.muli %scan3A_800, %mul3A_801 : i32
      %get3A_803 = arith.index_cast %mul3A_802 : i32 to index
      %get3A_804 = tpu.vector_load %arg7[%get3A_803] {strides = array<i32>} : memref<512xi32, #tpu.memory_space<vmem>>, vector<16xi32>,
      %broadcast_in_dim3A_805 = arith.constant true
      %broadcast_in_dim3A_806 = vector.broadcast %broadcast_in_dim3A_805 : i1 to vector<16xi1>
      %unique3A, %unique3A_807 = tpu.scan_count mask(%broadcast_in_dim3A_806 : vector<16xi1>) value(%get3A_804 : vector<16xi32>) : vector<16xi1>, vector<16xi32>
      %gather3A = tpu.vector_load_idx %arg11[%get3A_804] : memref<64xi32, #tpu.memory_space<vmem>>[vector<16xi32>], vector<16xi32>,
      %add3A_808 = arith.addi %gather3A, %unique3A_807 : vector<16xi32>
      %sub3A_809 = arith.constant 1 : i32
      %sub3A_810 = vector.broadcast %sub3A_809 : i32 to vector<16xi32>
      %sub3A_811 = arith.subi %add3A_808, %sub3A_810 : vector<16xi32>
      %mul3A_812 = arith.constant 16 : i32
      %mul3A_813 = arith.muli %scan3A_800, %mul3A_812 : i32
      %swap3A_814 = arith.index_cast %mul3A_813 : i32 to index
      %swap3A_815 = tpu.vector_load %arg10[%swap3A_814] {strides = array<i32>} : memref<512xi32, #tpu.memory_space<vmem>>, vector<16xi32>,
      tpu.vector_store %arg10[%swap3A_814], %sub3A_811 {strides = array<i32>} : memref<512xi32, #tpu.memory_space<vmem>>, vector<16xi32>,
      %add3A_816 = arith.constant 1 : i32
      %add3A_817 = vector.broadcast %add3A_816 : i32 to vector<16xi32>
      %add3A_818 = arith.addi %sub3A_811, %add3A_817 : vector<16xi32>
      tpu.vector_store_idx %arg11[%get3A_804], %add3A_818 masked %unique3A : memref<64xi32, #tpu.memory_space<vmem>>[vector<16xi32>], vector<16xi32>, vector<16xi1>
    }
    %scan3A_56 = arith.constant 32 : i32
    %mul3A_57 = arith.constant 64 : i32
    %mul3A_58 = arith.muli %arg1, %mul3A_57 : i32
    "tpu.region"() ({
      %run_scoped3A_800 = tpu.sem_alloc : memref<!tpu.dma_semaphore, #tpu.memory_space<semaphore_mem>>
      %dma_start3A = tpu.memref_slice %arg15[%mul3A_58] : memref<2048xi32, #tpu.memory_space<vmem_shared>> -> memref<64xi32, #tpu.memory_space<vmem_shared>>
      %dma_start3A_801 = tpu.memref_slice %arg15[%mul3A_58] : memref<2048xi32, #tpu.memory_space<vmem_shared>> -> memref<64xi32, #tpu.memory_space<vmem_shared>>
      tpu.enqueue_dma source(%arg11 : memref<64xi32, #tpu.memory_space<vmem>>) target(%dma_start3A_801 : memref<64xi32, #tpu.memory_space<vmem_shared>>) target_semaphore(%run_scoped3A_800 : memref<!tpu.dma_semaphore, #tpu.memory_space<semaphore_mem>>)
      %dma_wait3A = tpu.memref_slice %arg15[%mul3A_58] : memref<2048xi32, #tpu.memory_space<vmem_shared>> -> memref<64xi32, #tpu.memory_space<vmem_shared>>
      %dma_wait3A_802 = tpu.memref_slice %arg15[%mul3A_58] : memref<2048xi32, #tpu.memory_space<vmem_shared>> -> memref<64xi32, #tpu.memory_space<vmem_shared>>
      tpu.wait_dma2 semaphore(%run_scoped3A_800 : memref<!tpu.dma_semaphore, #tpu.memory_space<semaphore_mem>>) src(%arg11 : memref<64xi32, #tpu.memory_space<vmem>>) dst(%dma_wait3A_802 : memref<64xi32, #tpu.memory_space<vmem_shared>>)
      tpu.yield
    }) : () -> ()
    %add3A_59 = arith.constant 16 : i32
    %add3A_60 = arith.addi %add3A_59, %arg1 : i32
    %mul3A_61 = arith.constant 64 : i32
    %mul3A_62 = arith.muli %add3A_60, %mul3A_61 : i32
    "tpu.region"() ({
      %run_scoped3A_800 = tpu.sem_alloc : memref<!tpu.dma_semaphore, #tpu.memory_space<semaphore_mem>>
      %dma_start3A = tpu.memref_slice %arg15[%mul3A_62] : memref<2048xi32, #tpu.memory_space<vmem_shared>> -> memref<64xi32, #tpu.memory_space<vmem_shared>>
      %dma_start3A_801 = tpu.memref_slice %arg15[%mul3A_62] : memref<2048xi32, #tpu.memory_space<vmem_shared>> -> memref<64xi32, #tpu.memory_space<vmem_shared>>
      tpu.enqueue_dma source(%arg12 : memref<64xi32, #tpu.memory_space<vmem>>) target(%dma_start3A_801 : memref<64xi32, #tpu.memory_space<vmem_shared>>) target_semaphore(%run_scoped3A_800 : memref<!tpu.dma_semaphore, #tpu.memory_space<semaphore_mem>>)
      %dma_wait3A = tpu.memref_slice %arg15[%mul3A_62] : memref<2048xi32, #tpu.memory_space<vmem_shared>> -> memref<64xi32, #tpu.memory_space<vmem_shared>>
      %dma_wait3A_802 = tpu.memref_slice %arg15[%mul3A_62] : memref<2048xi32, #tpu.memory_space<vmem_shared>> -> memref<64xi32, #tpu.memory_space<vmem_shared>>
      tpu.wait_dma2 semaphore(%run_scoped3A_800 : memref<!tpu.dma_semaphore, #tpu.memory_space<semaphore_mem>>) src(%arg12 : memref<64xi32, #tpu.memory_space<vmem>>) dst(%dma_wait3A_802 : memref<64xi32, #tpu.memory_space<vmem_shared>>)
      tpu.yield
    }) : () -> ()
    %barrier3A = arith.constant 0 : index
    tpu.barrier barrier_id(%barrier3A)
    "tpu.region"() ({
      %run_scoped3A_800 = tpu.sem_alloc : memref<!tpu.dma_semaphore, #tpu.memory_space<semaphore_mem>>
      tpu.enqueue_dma source(%arg15 : memref<2048xi32, #tpu.memory_space<vmem_shared>>) target(%arg14 : memref<2048xi32, #tpu.memory_space<vmem>>) target_semaphore(%run_scoped3A_800 : memref<!tpu.dma_semaphore, #tpu.memory_space<semaphore_mem>>)
      tpu.wait_dma2 semaphore(%run_scoped3A_800 : memref<!tpu.dma_semaphore, #tpu.memory_space<semaphore_mem>>) src(%arg15 : memref<2048xi32, #tpu.memory_space<vmem_shared>>) dst(%arg14 : memref<2048xi32, #tpu.memory_space<vmem>>)
      tpu.yield
    }) : () -> ()
    %eq3A_63 = arith.constant 1 : i32
    %eq3A_64 = arith.cmpi eq, %arg0, %eq3A_63 : i32
    %convert_element_type3A_65 = arith.extui %eq3A_64 : i1 to i32
    %gt3A = arith.constant 0 : i32
    %gt3A_66 = arith.cmpi sgt, %arg1, %gt3A : i32
    %get3A = arith.constant 0 : index
    %get3A_67 = tpu.vector_load %arg14[%get3A] {strides = array<i32>} : memref<2048xi32, #tpu.memory_space<vmem>>, vector<16xi32>,
    %jit3A_68 = arith.constant 0 : i32
    %broadcast_in_dim3A_69 = vector.broadcast %jit3A_68 : i32 to vector<16xi32>
    %select_n3A_70 = arith.select %gt3A_66, %get3A_67, %broadcast_in_dim3A_69 : vector<16xi32>
    %add3A_71 = arith.addi %broadcast_in_dim3A_33, %select_n3A_70 : vector<16xi32>
    %get3A_72 = arith.constant 1024 : index
    %get3A_73 = tpu.vector_load %arg14[%get3A_72] {strides = array<i32>} : memref<2048xi32, #tpu.memory_space<vmem>>, vector<16xi32>,
    %add3A_74 = arith.addi %broadcast_in_dim3A_33, %get3A_73 : vector<16xi32>
    %gt3A_75 = arith.constant 1 : i32
    %gt3A_76 = arith.cmpi sgt, %arg1, %gt3A_75 : i32
    %get3A_77 = arith.constant 64 : index
    %get3A_78 = tpu.vector_load %arg14[%get3A_77] {strides = array<i32>} : memref<2048xi32, #tpu.memory_space<vmem>>, vector<16xi32>,
    %jit3A_79 = arith.constant 0 : i32
    %broadcast_in_dim3A_80 = vector.broadcast %jit3A_79 : i32 to vector<16xi32>
    %select_n3A_81 = arith.select %gt3A_76, %get3A_78, %broadcast_in_dim3A_80 : vector<16xi32>
    %add3A_82 = arith.addi %add3A_71, %select_n3A_81 : vector<16xi32>
    %get3A_83 = arith.constant 1088 : index
    %get3A_84 = tpu.vector_load %arg14[%get3A_83] {strides = array<i32>} : memref<2048xi32, #tpu.memory_space<vmem>>, vector<16xi32>,
    %add3A_85 = arith.addi %add3A_74, %get3A_84 : vector<16xi32>
    %gt3A_86 = arith.constant 2 : i32
    %gt3A_87 = arith.cmpi sgt, %arg1, %gt3A_86 : i32
    %get3A_88 = arith.constant 128 : index
    %get3A_89 = tpu.vector_load %arg14[%get3A_88] {strides = array<i32>} : memref<2048xi32, #tpu.memory_space<vmem>>, vector<16xi32>,
    %jit3A_90 = arith.constant 0 : i32
    %broadcast_in_dim3A_91 = vector.broadcast %jit3A_90 : i32 to vector<16xi32>
    %select_n3A_92 = arith.select %gt3A_87, %get3A_89, %broadcast_in_dim3A_91 : vector<16xi32>
    %add3A_93 = arith.addi %add3A_82, %select_n3A_92 : vector<16xi32>
    %get3A_94 = arith.constant 1152 : index
    %get3A_95 = tpu.vector_load %arg14[%get3A_94] {strides = array<i32>} : memref<2048xi32, #tpu.memory_space<vmem>>, vector<16xi32>,
    %add3A_96 = arith.addi %add3A_85, %get3A_95 : vector<16xi32>
    %gt3A_97 = arith.constant 3 : i32
    %gt3A_98 = arith.cmpi sgt, %arg1, %gt3A_97 : i32
    %get3A_99 = arith.constant 192 : index
    %get3A_100 = tpu.vector_load %arg14[%get3A_99] {strides = array<i32>} : memref<2048xi32, #tpu.memory_space<vmem>>, vector<16xi32>,
    %jit3A_101 = arith.constant 0 : i32
    %broadcast_in_dim3A_102 = vector.broadcast %jit3A_101 : i32 to vector<16xi32>
    %select_n3A_103 = arith.select %gt3A_98, %get3A_100, %broadcast_in_dim3A_102 : vector<16xi32>
    %add3A_104 = arith.addi %add3A_93, %select_n3A_103 : vector<16xi32>
    %get3A_105 = arith.constant 1216 : index
    %get3A_106 = tpu.vector_load %arg14[%get3A_105] {strides = array<i32>} : memref<2048xi32, #tpu.memory_space<vmem>>, vector<16xi32>,
    %add3A_107 = arith.addi %add3A_96, %get3A_106 : vector<16xi32>
    %gt3A_108 = arith.constant 4 : i32
    %gt3A_109 = arith.cmpi sgt, %arg1, %gt3A_108 : i32
    %get3A_110 = arith.constant 256 : index
    %get3A_111 = tpu.vector_load %arg14[%get3A_110] {strides = array<i32>} : memref<2048xi32, #tpu.memory_space<vmem>>, vector<16xi32>,
    %jit3A_112 = arith.constant 0 : i32
    %broadcast_in_dim3A_113 = vector.broadcast %jit3A_112 : i32 to vector<16xi32>
    %select_n3A_114 = arith.select %gt3A_109, %get3A_111, %broadcast_in_dim3A_113 : vector<16xi32>
    %add3A_115 = arith.addi %add3A_104, %select_n3A_114 : vector<16xi32>
    %get3A_116 = arith.constant 1280 : index
    %get3A_117 = tpu.vector_load %arg14[%get3A_116] {strides = array<i32>} : memref<2048xi32, #tpu.memory_space<vmem>>, vector<16xi32>,
    %add3A_118 = arith.addi %add3A_107, %get3A_117 : vector<16xi32>
    %gt3A_119 = arith.constant 5 : i32
    %gt3A_120 = arith.cmpi sgt, %arg1, %gt3A_119 : i32
    %get3A_121 = arith.constant 320 : index
    %get3A_122 = tpu.vector_load %arg14[%get3A_121] {strides = array<i32>} : memref<2048xi32, #tpu.memory_space<vmem>>, vector<16xi32>,
    %jit3A_123 = arith.constant 0 : i32
    %broadcast_in_dim3A_124 = vector.broadcast %jit3A_123 : i32 to vector<16xi32>
    %select_n3A_125 = arith.select %gt3A_120, %get3A_122, %broadcast_in_dim3A_124 : vector<16xi32>
    %add3A_126 = arith.addi %add3A_115, %select_n3A_125 : vector<16xi32>
    %get3A_127 = arith.constant 1344 : index
    %get3A_128 = tpu.vector_load %arg14[%get3A_127] {strides = array<i32>} : memref<2048xi32, #tpu.memory_space<vmem>>, vector<16xi32>,
    %add3A_129 = arith.addi %add3A_118, %get3A_128 : vector<16xi32>
    %gt3A_130 = arith.constant 6 : i32
    %gt3A_131 = arith.cmpi sgt, %arg1, %gt3A_130 : i32
    %get3A_132 = arith.constant 384 : index
    %get3A_133 = tpu.vector_load %arg14[%get3A_132] {strides = array<i32>} : memref<2048xi32, #tpu.memory_space<vmem>>, vector<16xi32>,
    %jit3A_134 = arith.constant 0 : i32
    %broadcast_in_dim3A_135 = vector.broadcast %jit3A_134 : i32 to vector<16xi32>
    %select_n3A_136 = arith.select %gt3A_131, %get3A_133, %broadcast_in_dim3A_135 : vector<16xi32>
    %add3A_137 = arith.addi %add3A_126, %select_n3A_136 : vector<16xi32>
    %get3A_138 = arith.constant 1408 : index
    %get3A_139 = tpu.vector_load %arg14[%get3A_138] {strides = array<i32>} : memref<2048xi32, #tpu.memory_space<vmem>>, vector<16xi32>,
    %add3A_140 = arith.addi %add3A_129, %get3A_139 : vector<16xi32>
    %gt3A_141 = arith.constant 7 : i32
    %gt3A_142 = arith.cmpi sgt, %arg1, %gt3A_141 : i32
    %get3A_143 = arith.constant 448 : index
    %get3A_144 = tpu.vector_load %arg14[%get3A_143] {strides = array<i32>} : memref<2048xi32, #tpu.memory_space<vmem>>, vector<16xi32>,
    %jit3A_145 = arith.constant 0 : i32
    %broadcast_in_dim3A_146 = vector.broadcast %jit3A_145 : i32 to vector<16xi32>
    %select_n3A_147 = arith.select %gt3A_142, %get3A_144, %broadcast_in_dim3A_146 : vector<16xi32>
    %add3A_148 = arith.addi %add3A_137, %select_n3A_147 : vector<16xi32>
    %get3A_149 = arith.constant 1472 : index
    %get3A_150 = tpu.vector_load %arg14[%get3A_149] {strides = array<i32>} : memref<2048xi32, #tpu.memory_space<vmem>>, vector<16xi32>,
    %add3A_151 = arith.addi %add3A_140, %get3A_150 : vector<16xi32>
    %gt3A_152 = arith.constant 8 : i32
    %gt3A_153 = arith.cmpi sgt, %arg1, %gt3A_152 : i32
    %get3A_154 = arith.constant 512 : index
    %get3A_155 = tpu.vector_load %arg14[%get3A_154] {strides = array<i32>} : memref<2048xi32, #tpu.memory_space<vmem>>, vector<16xi32>,
    %jit3A_156 = arith.constant 0 : i32
    %broadcast_in_dim3A_157 = vector.broadcast %jit3A_156 : i32 to vector<16xi32>
    %select_n3A_158 = arith.select %gt3A_153, %get3A_155, %broadcast_in_dim3A_157 : vector<16xi32>
    %add3A_159 = arith.addi %add3A_148, %select_n3A_158 : vector<16xi32>
    %get3A_160 = arith.constant 1536 : index
    %get3A_161 = tpu.vector_load %arg14[%get3A_160] {strides = array<i32>} : memref<2048xi32, #tpu.memory_space<vmem>>, vector<16xi32>,
    %add3A_162 = arith.addi %add3A_151, %get3A_161 : vector<16xi32>
    %gt3A_163 = arith.constant 9 : i32
    %gt3A_164 = arith.cmpi sgt, %arg1, %gt3A_163 : i32
    %get3A_165 = arith.constant 576 : index
    %get3A_166 = tpu.vector_load %arg14[%get3A_165] {strides = array<i32>} : memref<2048xi32, #tpu.memory_space<vmem>>, vector<16xi32>,
    %jit3A_167 = arith.constant 0 : i32
    %broadcast_in_dim3A_168 = vector.broadcast %jit3A_167 : i32 to vector<16xi32>
    %select_n3A_169 = arith.select %gt3A_164, %get3A_166, %broadcast_in_dim3A_168 : vector<16xi32>
    %add3A_170 = arith.addi %add3A_159, %select_n3A_169 : vector<16xi32>
    %get3A_171 = arith.constant 1600 : index
    %get3A_172 = tpu.vector_load %arg14[%get3A_171] {strides = array<i32>} : memref<2048xi32, #tpu.memory_space<vmem>>, vector<16xi32>,
    %add3A_173 = arith.addi %add3A_162, %get3A_172 : vector<16xi32>
    %gt3A_174 = arith.constant 10 : i32
    %gt3A_175 = arith.cmpi sgt, %arg1, %gt3A_174 : i32
    %get3A_176 = arith.constant 640 : index
    %get3A_177 = tpu.vector_load %arg14[%get3A_176] {strides = array<i32>} : memref<2048xi32, #tpu.memory_space<vmem>>, vector<16xi32>,
    %jit3A_178 = arith.constant 0 : i32
    %broadcast_in_dim3A_179 = vector.broadcast %jit3A_178 : i32 to vector<16xi32>
    %select_n3A_180 = arith.select %gt3A_175, %get3A_177, %broadcast_in_dim3A_179 : vector<16xi32>
    %add3A_181 = arith.addi %add3A_170, %select_n3A_180 : vector<16xi32>
    %get3A_182 = arith.constant 1664 : index
    %get3A_183 = tpu.vector_load %arg14[%get3A_182] {strides = array<i32>} : memref<2048xi32, #tpu.memory_space<vmem>>, vector<16xi32>,
    %add3A_184 = arith.addi %add3A_173, %get3A_183 : vector<16xi32>
    %gt3A_185 = arith.constant 11 : i32
    %gt3A_186 = arith.cmpi sgt, %arg1, %gt3A_185 : i32
    %get3A_187 = arith.constant 704 : index
    %get3A_188 = tpu.vector_load %arg14[%get3A_187] {strides = array<i32>} : memref<2048xi32, #tpu.memory_space<vmem>>, vector<16xi32>,
    %jit3A_189 = arith.constant 0 : i32
    %broadcast_in_dim3A_190 = vector.broadcast %jit3A_189 : i32 to vector<16xi32>
    %select_n3A_191 = arith.select %gt3A_186, %get3A_188, %broadcast_in_dim3A_190 : vector<16xi32>
    %add3A_192 = arith.addi %add3A_181, %select_n3A_191 : vector<16xi32>
    %get3A_193 = arith.constant 1728 : index
    %get3A_194 = tpu.vector_load %arg14[%get3A_193] {strides = array<i32>} : memref<2048xi32, #tpu.memory_space<vmem>>, vector<16xi32>,
    %add3A_195 = arith.addi %add3A_184, %get3A_194 : vector<16xi32>
    %gt3A_196 = arith.constant 12 : i32
    %gt3A_197 = arith.cmpi sgt, %arg1, %gt3A_196 : i32
    %get3A_198 = arith.constant 768 : index
    %get3A_199 = tpu.vector_load %arg14[%get3A_198] {strides = array<i32>} : memref<2048xi32, #tpu.memory_space<vmem>>, vector<16xi32>,
    %jit3A_200 = arith.constant 0 : i32
    %broadcast_in_dim3A_201 = vector.broadcast %jit3A_200 : i32 to vector<16xi32>
    %select_n3A_202 = arith.select %gt3A_197, %get3A_199, %broadcast_in_dim3A_201 : vector<16xi32>
    %add3A_203 = arith.addi %add3A_192, %select_n3A_202 : vector<16xi32>
    %get3A_204 = arith.constant 1792 : index
    %get3A_205 = tpu.vector_load %arg14[%get3A_204] {strides = array<i32>} : memref<2048xi32, #tpu.memory_space<vmem>>, vector<16xi32>,
    %add3A_206 = arith.addi %add3A_195, %get3A_205 : vector<16xi32>
    %gt3A_207 = arith.constant 13 : i32
    %gt3A_208 = arith.cmpi sgt, %arg1, %gt3A_207 : i32
    %get3A_209 = arith.constant 832 : index
    %get3A_210 = tpu.vector_load %arg14[%get3A_209] {strides = array<i32>} : memref<2048xi32, #tpu.memory_space<vmem>>, vector<16xi32>,
    %jit3A_211 = arith.constant 0 : i32
    %broadcast_in_dim3A_212 = vector.broadcast %jit3A_211 : i32 to vector<16xi32>
    %select_n3A_213 = arith.select %gt3A_208, %get3A_210, %broadcast_in_dim3A_212 : vector<16xi32>
    %add3A_214 = arith.addi %add3A_203, %select_n3A_213 : vector<16xi32>
    %get3A_215 = arith.constant 1856 : index
    %get3A_216 = tpu.vector_load %arg14[%get3A_215] {strides = array<i32>} : memref<2048xi32, #tpu.memory_space<vmem>>, vector<16xi32>,
    %add3A_217 = arith.addi %add3A_206, %get3A_216 : vector<16xi32>
    %gt3A_218 = arith.constant 14 : i32
    %gt3A_219 = arith.cmpi sgt, %arg1, %gt3A_218 : i32
    %get3A_220 = arith.constant 896 : index
    %get3A_221 = tpu.vector_load %arg14[%get3A_220] {strides = array<i32>} : memref<2048xi32, #tpu.memory_space<vmem>>, vector<16xi32>,
    %jit3A_222 = arith.constant 0 : i32
    %broadcast_in_dim3A_223 = vector.broadcast %jit3A_222 : i32 to vector<16xi32>
    %select_n3A_224 = arith.select %gt3A_219, %get3A_221, %broadcast_in_dim3A_223 : vector<16xi32>
    %add3A_225 = arith.addi %add3A_214, %select_n3A_224 : vector<16xi32>
    %get3A_226 = arith.constant 1920 : index
    %get3A_227 = tpu.vector_load %arg14[%get3A_226] {strides = array<i32>} : memref<2048xi32, #tpu.memory_space<vmem>>, vector<16xi32>,
    %add3A_228 = arith.addi %add3A_217, %get3A_227 : vector<16xi32>
    %gt3A_229 = arith.constant 15 : i32
    %gt3A_230 = arith.cmpi sgt, %arg1, %gt3A_229 : i32
    %get3A_231 = arith.constant 960 : index
    %get3A_232 = tpu.vector_load %arg14[%get3A_231] {strides = array<i32>} : memref<2048xi32, #tpu.memory_space<vmem>>, vector<16xi32>,
    %jit3A_233 = arith.constant 0 : i32
    %broadcast_in_dim3A_234 = vector.broadcast %jit3A_233 : i32 to vector<16xi32>
    %select_n3A_235 = arith.select %gt3A_230, %get3A_232, %broadcast_in_dim3A_234 : vector<16xi32>
    %add3A_236 = arith.addi %add3A_225, %select_n3A_235 : vector<16xi32>
    %get3A_237 = arith.constant 1984 : index
    %get3A_238 = tpu.vector_load %arg14[%get3A_237] {strides = array<i32>} : memref<2048xi32, #tpu.memory_space<vmem>>, vector<16xi32>,
    %add3A_239 = arith.addi %add3A_228, %get3A_238 : vector<16xi32>
    %mul3A_240 = vector.broadcast %convert_element_type3A_65 : i32 to vector<16xi32>
    %mul3A_241 = arith.muli %add3A_239, %mul3A_240 : vector<16xi32>
    %add3A_242 = arith.addi %add3A_236, %mul3A_241 : vector<16xi32>
    %swap3A_243 = arith.constant 0 : index
    %swap3A_244 = tpu.vector_load %arg13[%swap3A_243] {strides = array<i32>} : memref<64xi32, #tpu.memory_space<vmem>>, vector<16xi32>,
    tpu.vector_store %arg13[%swap3A_243], %add3A_242 {strides = array<i32>} : memref<64xi32, #tpu.memory_space<vmem>>, vector<16xi32>,
    %gt3A_245 = arith.constant 0 : i32
    %gt3A_246 = arith.cmpi sgt, %arg1, %gt3A_245 : i32
    %get3A_247 = arith.constant 16 : index
    %get3A_248 = tpu.vector_load %arg14[%get3A_247] {strides = array<i32>} : memref<2048xi32, #tpu.memory_space<vmem>>, vector<16xi32>,
    %jit3A_249 = arith.constant 0 : i32
    %broadcast_in_dim3A_250 = vector.broadcast %jit3A_249 : i32 to vector<16xi32>
    %select_n3A_251 = arith.select %gt3A_246, %get3A_248, %broadcast_in_dim3A_250 : vector<16xi32>
    %add3A_252 = arith.addi %broadcast_in_dim3A_33, %select_n3A_251 : vector<16xi32>
    %get3A_253 = arith.constant 1040 : index
    %get3A_254 = tpu.vector_load %arg14[%get3A_253] {strides = array<i32>} : memref<2048xi32, #tpu.memory_space<vmem>>, vector<16xi32>,
    %add3A_255 = arith.addi %broadcast_in_dim3A_33, %get3A_254 : vector<16xi32>
    %gt3A_256 = arith.constant 1 : i32
    %gt3A_257 = arith.cmpi sgt, %arg1, %gt3A_256 : i32
    %get3A_258 = arith.constant 80 : index
    %get3A_259 = tpu.vector_load %arg14[%get3A_258] {strides = array<i32>} : memref<2048xi32, #tpu.memory_space<vmem>>, vector<16xi32>,
    %jit3A_260 = arith.constant 0 : i32
    %broadcast_in_dim3A_261 = vector.broadcast %jit3A_260 : i32 to vector<16xi32>
    %select_n3A_262 = arith.select %gt3A_257, %get3A_259, %broadcast_in_dim3A_261 : vector<16xi32>
    %add3A_263 = arith.addi %add3A_252, %select_n3A_262 : vector<16xi32>
    %get3A_264 = arith.constant 1104 : index
    %get3A_265 = tpu.vector_load %arg14[%get3A_264] {strides = array<i32>} : memref<2048xi32, #tpu.memory_space<vmem>>, vector<16xi32>,
    %add3A_266 = arith.addi %add3A_255, %get3A_265 : vector<16xi32>
    %gt3A_267 = arith.constant 2 : i32
    %gt3A_268 = arith.cmpi sgt, %arg1, %gt3A_267 : i32
    %get3A_269 = arith.constant 144 : index
    %get3A_270 = tpu.vector_load %arg14[%get3A_269] {strides = array<i32>} : memref<2048xi32, #tpu.memory_space<vmem>>, vector<16xi32>,
    %jit3A_271 = arith.constant 0 : i32
    %broadcast_in_dim3A_272 = vector.broadcast %jit3A_271 : i32 to vector<16xi32>
    %select_n3A_273 = arith.select %gt3A_268, %get3A_270, %broadcast_in_dim3A_272 : vector<16xi32>
    %add3A_274 = arith.addi %add3A_263, %select_n3A_273 : vector<16xi32>
    %get3A_275 = arith.constant 1168 : index
    %get3A_276 = tpu.vector_load %arg14[%get3A_275] {strides = array<i32>} : memref<2048xi32, #tpu.memory_space<vmem>>, vector<16xi32>,
    %add3A_277 = arith.addi %add3A_266, %get3A_276 : vector<16xi32>
    %gt3A_278 = arith.constant 3 : i32
    %gt3A_279 = arith.cmpi sgt, %arg1, %gt3A_278 : i32
    %get3A_280 = arith.constant 208 : index
    %get3A_281 = tpu.vector_load %arg14[%get3A_280] {strides = array<i32>} : memref<2048xi32, #tpu.memory_space<vmem>>, vector<16xi32>,
    %jit3A_282 = arith.constant 0 : i32
    %broadcast_in_dim3A_283 = vector.broadcast %jit3A_282 : i32 to vector<16xi32>
    %select_n3A_284 = arith.select %gt3A_279, %get3A_281, %broadcast_in_dim3A_283 : vector<16xi32>
    %add3A_285 = arith.addi %add3A_274, %select_n3A_284 : vector<16xi32>
    %get3A_286 = arith.constant 1232 : index
    %get3A_287 = tpu.vector_load %arg14[%get3A_286] {strides = array<i32>} : memref<2048xi32, #tpu.memory_space<vmem>>, vector<16xi32>,
    %add3A_288 = arith.addi %add3A_277, %get3A_287 : vector<16xi32>
    %gt3A_289 = arith.constant 4 : i32
    %gt3A_290 = arith.cmpi sgt, %arg1, %gt3A_289 : i32
    %get3A_291 = arith.constant 272 : index
    %get3A_292 = tpu.vector_load %arg14[%get3A_291] {strides = array<i32>} : memref<2048xi32, #tpu.memory_space<vmem>>, vector<16xi32>,
    %jit3A_293 = arith.constant 0 : i32
    %broadcast_in_dim3A_294 = vector.broadcast %jit3A_293 : i32 to vector<16xi32>
    %select_n3A_295 = arith.select %gt3A_290, %get3A_292, %broadcast_in_dim3A_294 : vector<16xi32>
    %add3A_296 = arith.addi %add3A_285, %select_n3A_295 : vector<16xi32>
    %get3A_297 = arith.constant 1296 : index
    %get3A_298 = tpu.vector_load %arg14[%get3A_297] {strides = array<i32>} : memref<2048xi32, #tpu.memory_space<vmem>>, vector<16xi32>,
    %add3A_299 = arith.addi %add3A_288, %get3A_298 : vector<16xi32>
    %gt3A_300 = arith.constant 5 : i32
    %gt3A_301 = arith.cmpi sgt, %arg1, %gt3A_300 : i32
    %get3A_302 = arith.constant 336 : index
    %get3A_303 = tpu.vector_load %arg14[%get3A_302] {strides = array<i32>} : memref<2048xi32, #tpu.memory_space<vmem>>, vector<16xi32>,
    %jit3A_304 = arith.constant 0 : i32
    %broadcast_in_dim3A_305 = vector.broadcast %jit3A_304 : i32 to vector<16xi32>
    %select_n3A_306 = arith.select %gt3A_301, %get3A_303, %broadcast_in_dim3A_305 : vector<16xi32>
    %add3A_307 = arith.addi %add3A_296, %select_n3A_306 : vector<16xi32>
    %get3A_308 = arith.constant 1360 : index
    %get3A_309 = tpu.vector_load %arg14[%get3A_308] {strides = array<i32>} : memref<2048xi32, #tpu.memory_space<vmem>>, vector<16xi32>,
    %add3A_310 = arith.addi %add3A_299, %get3A_309 : vector<16xi32>
    %gt3A_311 = arith.constant 6 : i32
    %gt3A_312 = arith.cmpi sgt, %arg1, %gt3A_311 : i32
    %get3A_313 = arith.constant 400 : index
    %get3A_314 = tpu.vector_load %arg14[%get3A_313] {strides = array<i32>} : memref<2048xi32, #tpu.memory_space<vmem>>, vector<16xi32>,
    %jit3A_315 = arith.constant 0 : i32
    %broadcast_in_dim3A_316 = vector.broadcast %jit3A_315 : i32 to vector<16xi32>
    %select_n3A_317 = arith.select %gt3A_312, %get3A_314, %broadcast_in_dim3A_316 : vector<16xi32>
    %add3A_318 = arith.addi %add3A_307, %select_n3A_317 : vector<16xi32>
    %get3A_319 = arith.constant 1424 : index
    %get3A_320 = tpu.vector_load %arg14[%get3A_319] {strides = array<i32>} : memref<2048xi32, #tpu.memory_space<vmem>>, vector<16xi32>,
    %add3A_321 = arith.addi %add3A_310, %get3A_320 : vector<16xi32>
    %gt3A_322 = arith.constant 7 : i32
    %gt3A_323 = arith.cmpi sgt, %arg1, %gt3A_322 : i32
    %get3A_324 = arith.constant 464 : index
    %get3A_325 = tpu.vector_load %arg14[%get3A_324] {strides = array<i32>} : memref<2048xi32, #tpu.memory_space<vmem>>, vector<16xi32>,
    %jit3A_326 = arith.constant 0 : i32
    %broadcast_in_dim3A_327 = vector.broadcast %jit3A_326 : i32 to vector<16xi32>
    %select_n3A_328 = arith.select %gt3A_323, %get3A_325, %broadcast_in_dim3A_327 : vector<16xi32>
    %add3A_329 = arith.addi %add3A_318, %select_n3A_328 : vector<16xi32>
    %get3A_330 = arith.constant 1488 : index
    %get3A_331 = tpu.vector_load %arg14[%get3A_330] {strides = array<i32>} : memref<2048xi32, #tpu.memory_space<vmem>>, vector<16xi32>,
    %add3A_332 = arith.addi %add3A_321, %get3A_331 : vector<16xi32>
    %gt3A_333 = arith.constant 8 : i32
    %gt3A_334 = arith.cmpi sgt, %arg1, %gt3A_333 : i32
    %get3A_335 = arith.constant 528 : index
    %get3A_336 = tpu.vector_load %arg14[%get3A_335] {strides = array<i32>} : memref<2048xi32, #tpu.memory_space<vmem>>, vector<16xi32>,
    %jit3A_337 = arith.constant 0 : i32
    %broadcast_in_dim3A_338 = vector.broadcast %jit3A_337 : i32 to vector<16xi32>
    %select_n3A_339 = arith.select %gt3A_334, %get3A_336, %broadcast_in_dim3A_338 : vector<16xi32>
    %add3A_340 = arith.addi %add3A_329, %select_n3A_339 : vector<16xi32>
    %get3A_341 = arith.constant 1552 : index
    %get3A_342 = tpu.vector_load %arg14[%get3A_341] {strides = array<i32>} : memref<2048xi32, #tpu.memory_space<vmem>>, vector<16xi32>,
    %add3A_343 = arith.addi %add3A_332, %get3A_342 : vector<16xi32>
    %gt3A_344 = arith.constant 9 : i32
    %gt3A_345 = arith.cmpi sgt, %arg1, %gt3A_344 : i32
    %get3A_346 = arith.constant 592 : index
    %get3A_347 = tpu.vector_load %arg14[%get3A_346] {strides = array<i32>} : memref<2048xi32, #tpu.memory_space<vmem>>, vector<16xi32>,
    %jit3A_348 = arith.constant 0 : i32
    %broadcast_in_dim3A_349 = vector.broadcast %jit3A_348 : i32 to vector<16xi32>
    %select_n3A_350 = arith.select %gt3A_345, %get3A_347, %broadcast_in_dim3A_349 : vector<16xi32>
    %add3A_351 = arith.addi %add3A_340, %select_n3A_350 : vector<16xi32>
    %get3A_352 = arith.constant 1616 : index
    %get3A_353 = tpu.vector_load %arg14[%get3A_352] {strides = array<i32>} : memref<2048xi32, #tpu.memory_space<vmem>>, vector<16xi32>,
    %add3A_354 = arith.addi %add3A_343, %get3A_353 : vector<16xi32>
    %gt3A_355 = arith.constant 10 : i32
    %gt3A_356 = arith.cmpi sgt, %arg1, %gt3A_355 : i32
    %get3A_357 = arith.constant 656 : index
    %get3A_358 = tpu.vector_load %arg14[%get3A_357] {strides = array<i32>} : memref<2048xi32, #tpu.memory_space<vmem>>, vector<16xi32>,
    %jit3A_359 = arith.constant 0 : i32
    %broadcast_in_dim3A_360 = vector.broadcast %jit3A_359 : i32 to vector<16xi32>
    %select_n3A_361 = arith.select %gt3A_356, %get3A_358, %broadcast_in_dim3A_360 : vector<16xi32>
    %add3A_362 = arith.addi %add3A_351, %select_n3A_361 : vector<16xi32>
    %get3A_363 = arith.constant 1680 : index
    %get3A_364 = tpu.vector_load %arg14[%get3A_363] {strides = array<i32>} : memref<2048xi32, #tpu.memory_space<vmem>>, vector<16xi32>,
    %add3A_365 = arith.addi %add3A_354, %get3A_364 : vector<16xi32>
    %gt3A_366 = arith.constant 11 : i32
    %gt3A_367 = arith.cmpi sgt, %arg1, %gt3A_366 : i32
    %get3A_368 = arith.constant 720 : index
    %get3A_369 = tpu.vector_load %arg14[%get3A_368] {strides = array<i32>} : memref<2048xi32, #tpu.memory_space<vmem>>, vector<16xi32>,
    %jit3A_370 = arith.constant 0 : i32
    %broadcast_in_dim3A_371 = vector.broadcast %jit3A_370 : i32 to vector<16xi32>
    %select_n3A_372 = arith.select %gt3A_367, %get3A_369, %broadcast_in_dim3A_371 : vector<16xi32>
    %add3A_373 = arith.addi %add3A_362, %select_n3A_372 : vector<16xi32>
    %get3A_374 = arith.constant 1744 : index
    %get3A_375 = tpu.vector_load %arg14[%get3A_374] {strides = array<i32>} : memref<2048xi32, #tpu.memory_space<vmem>>, vector<16xi32>,
    %add3A_376 = arith.addi %add3A_365, %get3A_375 : vector<16xi32>
    %gt3A_377 = arith.constant 12 : i32
    %gt3A_378 = arith.cmpi sgt, %arg1, %gt3A_377 : i32
    %get3A_379 = arith.constant 784 : index
    %get3A_380 = tpu.vector_load %arg14[%get3A_379] {strides = array<i32>} : memref<2048xi32, #tpu.memory_space<vmem>>, vector<16xi32>,
    %jit3A_381 = arith.constant 0 : i32
    %broadcast_in_dim3A_382 = vector.broadcast %jit3A_381 : i32 to vector<16xi32>
    %select_n3A_383 = arith.select %gt3A_378, %get3A_380, %broadcast_in_dim3A_382 : vector<16xi32>
    %add3A_384 = arith.addi %add3A_373, %select_n3A_383 : vector<16xi32>
    %get3A_385 = arith.constant 1808 : index
    %get3A_386 = tpu.vector_load %arg14[%get3A_385] {strides = array<i32>} : memref<2048xi32, #tpu.memory_space<vmem>>, vector<16xi32>,
    %add3A_387 = arith.addi %add3A_376, %get3A_386 : vector<16xi32>
    %gt3A_388 = arith.constant 13 : i32
    %gt3A_389 = arith.cmpi sgt, %arg1, %gt3A_388 : i32
    %get3A_390 = arith.constant 848 : index
    %get3A_391 = tpu.vector_load %arg14[%get3A_390] {strides = array<i32>} : memref<2048xi32, #tpu.memory_space<vmem>>, vector<16xi32>,
    %jit3A_392 = arith.constant 0 : i32
    %broadcast_in_dim3A_393 = vector.broadcast %jit3A_392 : i32 to vector<16xi32>
    %select_n3A_394 = arith.select %gt3A_389, %get3A_391, %broadcast_in_dim3A_393 : vector<16xi32>
    %add3A_395 = arith.addi %add3A_384, %select_n3A_394 : vector<16xi32>
    %get3A_396 = arith.constant 1872 : index
    %get3A_397 = tpu.vector_load %arg14[%get3A_396] {strides = array<i32>} : memref<2048xi32, #tpu.memory_space<vmem>>, vector<16xi32>,
    %add3A_398 = arith.addi %add3A_387, %get3A_397 : vector<16xi32>
    %gt3A_399 = arith.constant 14 : i32
    %gt3A_400 = arith.cmpi sgt, %arg1, %gt3A_399 : i32
    %get3A_401 = arith.constant 912 : index
    %get3A_402 = tpu.vector_load %arg14[%get3A_401] {strides = array<i32>} : memref<2048xi32, #tpu.memory_space<vmem>>, vector<16xi32>,
    %jit3A_403 = arith.constant 0 : i32
    %broadcast_in_dim3A_404 = vector.broadcast %jit3A_403 : i32 to vector<16xi32>
    %select_n3A_405 = arith.select %gt3A_400, %get3A_402, %broadcast_in_dim3A_404 : vector<16xi32>
    %add3A_406 = arith.addi %add3A_395, %select_n3A_405 : vector<16xi32>
    %get3A_407 = arith.constant 1936 : index
    %get3A_408 = tpu.vector_load %arg14[%get3A_407] {strides = array<i32>} : memref<2048xi32, #tpu.memory_space<vmem>>, vector<16xi32>,
    %add3A_409 = arith.addi %add3A_398, %get3A_408 : vector<16xi32>
    %gt3A_410 = arith.constant 15 : i32
    %gt3A_411 = arith.cmpi sgt, %arg1, %gt3A_410 : i32
    %get3A_412 = arith.constant 976 : index
    %get3A_413 = tpu.vector_load %arg14[%get3A_412] {strides = array<i32>} : memref<2048xi32, #tpu.memory_space<vmem>>, vector<16xi32>,
    %jit3A_414 = arith.constant 0 : i32
    %broadcast_in_dim3A_415 = vector.broadcast %jit3A_414 : i32 to vector<16xi32>
    %select_n3A_416 = arith.select %gt3A_411, %get3A_413, %broadcast_in_dim3A_415 : vector<16xi32>
    %add3A_417 = arith.addi %add3A_406, %select_n3A_416 : vector<16xi32>
    %get3A_418 = arith.constant 2000 : index
    %get3A_419 = tpu.vector_load %arg14[%get3A_418] {strides = array<i32>} : memref<2048xi32, #tpu.memory_space<vmem>>, vector<16xi32>,
    %add3A_420 = arith.addi %add3A_409, %get3A_419 : vector<16xi32>
    %mul3A_421 = vector.broadcast %convert_element_type3A_65 : i32 to vector<16xi32>
    %mul3A_422 = arith.muli %add3A_420, %mul3A_421 : vector<16xi32>
    %add3A_423 = arith.addi %add3A_417, %mul3A_422 : vector<16xi32>
    %swap3A_424 = arith.constant 16 : index
    %swap3A_425 = tpu.vector_load %arg13[%swap3A_424] {strides = array<i32>} : memref<64xi32, #tpu.memory_space<vmem>>, vector<16xi32>,
    tpu.vector_store %arg13[%swap3A_424], %add3A_423 {strides = array<i32>} : memref<64xi32, #tpu.memory_space<vmem>>, vector<16xi32>,
    %gt3A_426 = arith.constant 0 : i32
    %gt3A_427 = arith.cmpi sgt, %arg1, %gt3A_426 : i32
    %get3A_428 = arith.constant 32 : index
    %get3A_429 = tpu.vector_load %arg14[%get3A_428] {strides = array<i32>} : memref<2048xi32, #tpu.memory_space<vmem>>, vector<16xi32>,
    %jit3A_430 = arith.constant 0 : i32
    %broadcast_in_dim3A_431 = vector.broadcast %jit3A_430 : i32 to vector<16xi32>
    %select_n3A_432 = arith.select %gt3A_427, %get3A_429, %broadcast_in_dim3A_431 : vector<16xi32>
    %add3A_433 = arith.addi %broadcast_in_dim3A_33, %select_n3A_432 : vector<16xi32>
    %get3A_434 = arith.constant 1056 : index
    %get3A_435 = tpu.vector_load %arg14[%get3A_434] {strides = array<i32>} : memref<2048xi32, #tpu.memory_space<vmem>>, vector<16xi32>,
    %add3A_436 = arith.addi %broadcast_in_dim3A_33, %get3A_435 : vector<16xi32>
    %gt3A_437 = arith.constant 1 : i32
    %gt3A_438 = arith.cmpi sgt, %arg1, %gt3A_437 : i32
    %get3A_439 = arith.constant 96 : index
    %get3A_440 = tpu.vector_load %arg14[%get3A_439] {strides = array<i32>} : memref<2048xi32, #tpu.memory_space<vmem>>, vector<16xi32>,
    %jit3A_441 = arith.constant 0 : i32
    %broadcast_in_dim3A_442 = vector.broadcast %jit3A_441 : i32 to vector<16xi32>
    %select_n3A_443 = arith.select %gt3A_438, %get3A_440, %broadcast_in_dim3A_442 : vector<16xi32>
    %add3A_444 = arith.addi %add3A_433, %select_n3A_443 : vector<16xi32>
    %get3A_445 = arith.constant 1120 : index
    %get3A_446 = tpu.vector_load %arg14[%get3A_445] {strides = array<i32>} : memref<2048xi32, #tpu.memory_space<vmem>>, vector<16xi32>,
    %add3A_447 = arith.addi %add3A_436, %get3A_446 : vector<16xi32>
    %gt3A_448 = arith.constant 2 : i32
    %gt3A_449 = arith.cmpi sgt, %arg1, %gt3A_448 : i32
    %get3A_450 = arith.constant 160 : index
    %get3A_451 = tpu.vector_load %arg14[%get3A_450] {strides = array<i32>} : memref<2048xi32, #tpu.memory_space<vmem>>, vector<16xi32>,
    %jit3A_452 = arith.constant 0 : i32
    %broadcast_in_dim3A_453 = vector.broadcast %jit3A_452 : i32 to vector<16xi32>
    %select_n3A_454 = arith.select %gt3A_449, %get3A_451, %broadcast_in_dim3A_453 : vector<16xi32>
    %add3A_455 = arith.addi %add3A_444, %select_n3A_454 : vector<16xi32>
    %get3A_456 = arith.constant 1184 : index
    %get3A_457 = tpu.vector_load %arg14[%get3A_456] {strides = array<i32>} : memref<2048xi32, #tpu.memory_space<vmem>>, vector<16xi32>,
    %add3A_458 = arith.addi %add3A_447, %get3A_457 : vector<16xi32>
    %gt3A_459 = arith.constant 3 : i32
    %gt3A_460 = arith.cmpi sgt, %arg1, %gt3A_459 : i32
    %get3A_461 = arith.constant 224 : index
    %get3A_462 = tpu.vector_load %arg14[%get3A_461] {strides = array<i32>} : memref<2048xi32, #tpu.memory_space<vmem>>, vector<16xi32>,
    %jit3A_463 = arith.constant 0 : i32
    %broadcast_in_dim3A_464 = vector.broadcast %jit3A_463 : i32 to vector<16xi32>
    %select_n3A_465 = arith.select %gt3A_460, %get3A_462, %broadcast_in_dim3A_464 : vector<16xi32>
    %add3A_466 = arith.addi %add3A_455, %select_n3A_465 : vector<16xi32>
    %get3A_467 = arith.constant 1248 : index
    %get3A_468 = tpu.vector_load %arg14[%get3A_467] {strides = array<i32>} : memref<2048xi32, #tpu.memory_space<vmem>>, vector<16xi32>,
    %add3A_469 = arith.addi %add3A_458, %get3A_468 : vector<16xi32>
    %gt3A_470 = arith.constant 4 : i32
    %gt3A_471 = arith.cmpi sgt, %arg1, %gt3A_470 : i32
    %get3A_472 = arith.constant 288 : index
    %get3A_473 = tpu.vector_load %arg14[%get3A_472] {strides = array<i32>} : memref<2048xi32, #tpu.memory_space<vmem>>, vector<16xi32>,
    %jit3A_474 = arith.constant 0 : i32
    %broadcast_in_dim3A_475 = vector.broadcast %jit3A_474 : i32 to vector<16xi32>
    %select_n3A_476 = arith.select %gt3A_471, %get3A_473, %broadcast_in_dim3A_475 : vector<16xi32>
    %add3A_477 = arith.addi %add3A_466, %select_n3A_476 : vector<16xi32>
    %get3A_478 = arith.constant 1312 : index
    %get3A_479 = tpu.vector_load %arg14[%get3A_478] {strides = array<i32>} : memref<2048xi32, #tpu.memory_space<vmem>>, vector<16xi32>,
    %add3A_480 = arith.addi %add3A_469, %get3A_479 : vector<16xi32>
    %gt3A_481 = arith.constant 5 : i32
    %gt3A_482 = arith.cmpi sgt, %arg1, %gt3A_481 : i32
    %get3A_483 = arith.constant 352 : index
    %get3A_484 = tpu.vector_load %arg14[%get3A_483] {strides = array<i32>} : memref<2048xi32, #tpu.memory_space<vmem>>, vector<16xi32>,
    %jit3A_485 = arith.constant 0 : i32
    %broadcast_in_dim3A_486 = vector.broadcast %jit3A_485 : i32 to vector<16xi32>
    %select_n3A_487 = arith.select %gt3A_482, %get3A_484, %broadcast_in_dim3A_486 : vector<16xi32>
    %add3A_488 = arith.addi %add3A_477, %select_n3A_487 : vector<16xi32>
    %get3A_489 = arith.constant 1376 : index
    %get3A_490 = tpu.vector_load %arg14[%get3A_489] {strides = array<i32>} : memref<2048xi32, #tpu.memory_space<vmem>>, vector<16xi32>,
    %add3A_491 = arith.addi %add3A_480, %get3A_490 : vector<16xi32>
    %gt3A_492 = arith.constant 6 : i32
    %gt3A_493 = arith.cmpi sgt, %arg1, %gt3A_492 : i32
    %get3A_494 = arith.constant 416 : index
    %get3A_495 = tpu.vector_load %arg14[%get3A_494] {strides = array<i32>} : memref<2048xi32, #tpu.memory_space<vmem>>, vector<16xi32>,
    %jit3A_496 = arith.constant 0 : i32
    %broadcast_in_dim3A_497 = vector.broadcast %jit3A_496 : i32 to vector<16xi32>
    %select_n3A_498 = arith.select %gt3A_493, %get3A_495, %broadcast_in_dim3A_497 : vector<16xi32>
    %add3A_499 = arith.addi %add3A_488, %select_n3A_498 : vector<16xi32>
    %get3A_500 = arith.constant 1440 : index
    %get3A_501 = tpu.vector_load %arg14[%get3A_500] {strides = array<i32>} : memref<2048xi32, #tpu.memory_space<vmem>>, vector<16xi32>,
    %add3A_502 = arith.addi %add3A_491, %get3A_501 : vector<16xi32>
    %gt3A_503 = arith.constant 7 : i32
    %gt3A_504 = arith.cmpi sgt, %arg1, %gt3A_503 : i32
    %get3A_505 = arith.constant 480 : index
    %get3A_506 = tpu.vector_load %arg14[%get3A_505] {strides = array<i32>} : memref<2048xi32, #tpu.memory_space<vmem>>, vector<16xi32>,
    %jit3A_507 = arith.constant 0 : i32
    %broadcast_in_dim3A_508 = vector.broadcast %jit3A_507 : i32 to vector<16xi32>
    %select_n3A_509 = arith.select %gt3A_504, %get3A_506, %broadcast_in_dim3A_508 : vector<16xi32>
    %add3A_510 = arith.addi %add3A_499, %select_n3A_509 : vector<16xi32>
    %get3A_511 = arith.constant 1504 : index
    %get3A_512 = tpu.vector_load %arg14[%get3A_511] {strides = array<i32>} : memref<2048xi32, #tpu.memory_space<vmem>>, vector<16xi32>,
    %add3A_513 = arith.addi %add3A_502, %get3A_512 : vector<16xi32>
    %gt3A_514 = arith.constant 8 : i32
    %gt3A_515 = arith.cmpi sgt, %arg1, %gt3A_514 : i32
    %get3A_516 = arith.constant 544 : index
    %get3A_517 = tpu.vector_load %arg14[%get3A_516] {strides = array<i32>} : memref<2048xi32, #tpu.memory_space<vmem>>, vector<16xi32>,
    %jit3A_518 = arith.constant 0 : i32
    %broadcast_in_dim3A_519 = vector.broadcast %jit3A_518 : i32 to vector<16xi32>
    %select_n3A_520 = arith.select %gt3A_515, %get3A_517, %broadcast_in_dim3A_519 : vector<16xi32>
    %add3A_521 = arith.addi %add3A_510, %select_n3A_520 : vector<16xi32>
    %get3A_522 = arith.constant 1568 : index
    %get3A_523 = tpu.vector_load %arg14[%get3A_522] {strides = array<i32>} : memref<2048xi32, #tpu.memory_space<vmem>>, vector<16xi32>,
    %add3A_524 = arith.addi %add3A_513, %get3A_523 : vector<16xi32>
    %gt3A_525 = arith.constant 9 : i32
    %gt3A_526 = arith.cmpi sgt, %arg1, %gt3A_525 : i32
    %get3A_527 = arith.constant 608 : index
    %get3A_528 = tpu.vector_load %arg14[%get3A_527] {strides = array<i32>} : memref<2048xi32, #tpu.memory_space<vmem>>, vector<16xi32>,
    %jit3A_529 = arith.constant 0 : i32
    %broadcast_in_dim3A_530 = vector.broadcast %jit3A_529 : i32 to vector<16xi32>
    %select_n3A_531 = arith.select %gt3A_526, %get3A_528, %broadcast_in_dim3A_530 : vector<16xi32>
    %add3A_532 = arith.addi %add3A_521, %select_n3A_531 : vector<16xi32>
    %get3A_533 = arith.constant 1632 : index
    %get3A_534 = tpu.vector_load %arg14[%get3A_533] {strides = array<i32>} : memref<2048xi32, #tpu.memory_space<vmem>>, vector<16xi32>,
    %add3A_535 = arith.addi %add3A_524, %get3A_534 : vector<16xi32>
    %gt3A_536 = arith.constant 10 : i32
    %gt3A_537 = arith.cmpi sgt, %arg1, %gt3A_536 : i32
    %get3A_538 = arith.constant 672 : index
    %get3A_539 = tpu.vector_load %arg14[%get3A_538] {strides = array<i32>} : memref<2048xi32, #tpu.memory_space<vmem>>, vector<16xi32>,
    %jit3A_540 = arith.constant 0 : i32
    %broadcast_in_dim3A_541 = vector.broadcast %jit3A_540 : i32 to vector<16xi32>
    %select_n3A_542 = arith.select %gt3A_537, %get3A_539, %broadcast_in_dim3A_541 : vector<16xi32>
    %add3A_543 = arith.addi %add3A_532, %select_n3A_542 : vector<16xi32>
    %get3A_544 = arith.constant 1696 : index
    %get3A_545 = tpu.vector_load %arg14[%get3A_544] {strides = array<i32>} : memref<2048xi32, #tpu.memory_space<vmem>>, vector<16xi32>,
    %add3A_546 = arith.addi %add3A_535, %get3A_545 : vector<16xi32>
    %gt3A_547 = arith.constant 11 : i32
    %gt3A_548 = arith.cmpi sgt, %arg1, %gt3A_547 : i32
    %get3A_549 = arith.constant 736 : index
    %get3A_550 = tpu.vector_load %arg14[%get3A_549] {strides = array<i32>} : memref<2048xi32, #tpu.memory_space<vmem>>, vector<16xi32>,
    %jit3A_551 = arith.constant 0 : i32
    %broadcast_in_dim3A_552 = vector.broadcast %jit3A_551 : i32 to vector<16xi32>
    %select_n3A_553 = arith.select %gt3A_548, %get3A_550, %broadcast_in_dim3A_552 : vector<16xi32>
    %add3A_554 = arith.addi %add3A_543, %select_n3A_553 : vector<16xi32>
    %get3A_555 = arith.constant 1760 : index
    %get3A_556 = tpu.vector_load %arg14[%get3A_555] {strides = array<i32>} : memref<2048xi32, #tpu.memory_space<vmem>>, vector<16xi32>,
    %add3A_557 = arith.addi %add3A_546, %get3A_556 : vector<16xi32>
    %gt3A_558 = arith.constant 12 : i32
    %gt3A_559 = arith.cmpi sgt, %arg1, %gt3A_558 : i32
    %get3A_560 = arith.constant 800 : index
    %get3A_561 = tpu.vector_load %arg14[%get3A_560] {strides = array<i32>} : memref<2048xi32, #tpu.memory_space<vmem>>, vector<16xi32>,
    %jit3A_562 = arith.constant 0 : i32
    %broadcast_in_dim3A_563 = vector.broadcast %jit3A_562 : i32 to vector<16xi32>
    %select_n3A_564 = arith.select %gt3A_559, %get3A_561, %broadcast_in_dim3A_563 : vector<16xi32>
    %add3A_565 = arith.addi %add3A_554, %select_n3A_564 : vector<16xi32>
    %get3A_566 = arith.constant 1824 : index
    %get3A_567 = tpu.vector_load %arg14[%get3A_566] {strides = array<i32>} : memref<2048xi32, #tpu.memory_space<vmem>>, vector<16xi32>,
    %add3A_568 = arith.addi %add3A_557, %get3A_567 : vector<16xi32>
    %gt3A_569 = arith.constant 13 : i32
    %gt3A_570 = arith.cmpi sgt, %arg1, %gt3A_569 : i32
    %get3A_571 = arith.constant 864 : index
    %get3A_572 = tpu.vector_load %arg14[%get3A_571] {strides = array<i32>} : memref<2048xi32, #tpu.memory_space<vmem>>, vector<16xi32>,
    %jit3A_573 = arith.constant 0 : i32
    %broadcast_in_dim3A_574 = vector.broadcast %jit3A_573 : i32 to vector<16xi32>
    %select_n3A_575 = arith.select %gt3A_570, %get3A_572, %broadcast_in_dim3A_574 : vector<16xi32>
    %add3A_576 = arith.addi %add3A_565, %select_n3A_575 : vector<16xi32>
    %get3A_577 = arith.constant 1888 : index
    %get3A_578 = tpu.vector_load %arg14[%get3A_577] {strides = array<i32>} : memref<2048xi32, #tpu.memory_space<vmem>>, vector<16xi32>,
    %add3A_579 = arith.addi %add3A_568, %get3A_578 : vector<16xi32>
    %gt3A_580 = arith.constant 14 : i32
    %gt3A_581 = arith.cmpi sgt, %arg1, %gt3A_580 : i32
    %get3A_582 = arith.constant 928 : index
    %get3A_583 = tpu.vector_load %arg14[%get3A_582] {strides = array<i32>} : memref<2048xi32, #tpu.memory_space<vmem>>, vector<16xi32>,
    %jit3A_584 = arith.constant 0 : i32
    %broadcast_in_dim3A_585 = vector.broadcast %jit3A_584 : i32 to vector<16xi32>
    %select_n3A_586 = arith.select %gt3A_581, %get3A_583, %broadcast_in_dim3A_585 : vector<16xi32>
    %add3A_587 = arith.addi %add3A_576, %select_n3A_586 : vector<16xi32>
    %get3A_588 = arith.constant 1952 : index
    %get3A_589 = tpu.vector_load %arg14[%get3A_588] {strides = array<i32>} : memref<2048xi32, #tpu.memory_space<vmem>>, vector<16xi32>,
    %add3A_590 = arith.addi %add3A_579, %get3A_589 : vector<16xi32>
    %gt3A_591 = arith.constant 15 : i32
    %gt3A_592 = arith.cmpi sgt, %arg1, %gt3A_591 : i32
    %get3A_593 = arith.constant 992 : index
    %get3A_594 = tpu.vector_load %arg14[%get3A_593] {strides = array<i32>} : memref<2048xi32, #tpu.memory_space<vmem>>, vector<16xi32>,
    %jit3A_595 = arith.constant 0 : i32
    %broadcast_in_dim3A_596 = vector.broadcast %jit3A_595 : i32 to vector<16xi32>
    %select_n3A_597 = arith.select %gt3A_592, %get3A_594, %broadcast_in_dim3A_596 : vector<16xi32>
    %add3A_598 = arith.addi %add3A_587, %select_n3A_597 : vector<16xi32>
    %get3A_599 = arith.constant 2016 : index
    %get3A_600 = tpu.vector_load %arg14[%get3A_599] {strides = array<i32>} : memref<2048xi32, #tpu.memory_space<vmem>>, vector<16xi32>,
    %add3A_601 = arith.addi %add3A_590, %get3A_600 : vector<16xi32>
    %mul3A_602 = vector.broadcast %convert_element_type3A_65 : i32 to vector<16xi32>
    %mul3A_603 = arith.muli %add3A_601, %mul3A_602 : vector<16xi32>
    %add3A_604 = arith.addi %add3A_598, %mul3A_603 : vector<16xi32>
    %swap3A_605 = arith.constant 32 : index
    %swap3A_606 = tpu.vector_load %arg13[%swap3A_605] {strides = array<i32>} : memref<64xi32, #tpu.memory_space<vmem>>, vector<16xi32>,
    tpu.vector_store %arg13[%swap3A_605], %add3A_604 {strides = array<i32>} : memref<64xi32, #tpu.memory_space<vmem>>, vector<16xi32>,
    %gt3A_607 = arith.constant 0 : i32
    %gt3A_608 = arith.cmpi sgt, %arg1, %gt3A_607 : i32
    %get3A_609 = arith.constant 48 : index
    %get3A_610 = tpu.vector_load %arg14[%get3A_609] {strides = array<i32>} : memref<2048xi32, #tpu.memory_space<vmem>>, vector<16xi32>,
    %jit3A_611 = arith.constant 0 : i32
    %broadcast_in_dim3A_612 = vector.broadcast %jit3A_611 : i32 to vector<16xi32>
    %select_n3A_613 = arith.select %gt3A_608, %get3A_610, %broadcast_in_dim3A_612 : vector<16xi32>
    %add3A_614 = arith.addi %broadcast_in_dim3A_33, %select_n3A_613 : vector<16xi32>
    %get3A_615 = arith.constant 1072 : index
    %get3A_616 = tpu.vector_load %arg14[%get3A_615] {strides = array<i32>} : memref<2048xi32, #tpu.memory_space<vmem>>, vector<16xi32>,
    %add3A_617 = arith.addi %broadcast_in_dim3A_33, %get3A_616 : vector<16xi32>
    %gt3A_618 = arith.constant 1 : i32
    %gt3A_619 = arith.cmpi sgt, %arg1, %gt3A_618 : i32
    %get3A_620 = arith.constant 112 : index
    %get3A_621 = tpu.vector_load %arg14[%get3A_620] {strides = array<i32>} : memref<2048xi32, #tpu.memory_space<vmem>>, vector<16xi32>,
    %jit3A_622 = arith.constant 0 : i32
    %broadcast_in_dim3A_623 = vector.broadcast %jit3A_622 : i32 to vector<16xi32>
    %select_n3A_624 = arith.select %gt3A_619, %get3A_621, %broadcast_in_dim3A_623 : vector<16xi32>
    %add3A_625 = arith.addi %add3A_614, %select_n3A_624 : vector<16xi32>
    %get3A_626 = arith.constant 1136 : index
    %get3A_627 = tpu.vector_load %arg14[%get3A_626] {strides = array<i32>} : memref<2048xi32, #tpu.memory_space<vmem>>, vector<16xi32>,
    %add3A_628 = arith.addi %add3A_617, %get3A_627 : vector<16xi32>
    %gt3A_629 = arith.constant 2 : i32
    %gt3A_630 = arith.cmpi sgt, %arg1, %gt3A_629 : i32
    %get3A_631 = arith.constant 176 : index
    %get3A_632 = tpu.vector_load %arg14[%get3A_631] {strides = array<i32>} : memref<2048xi32, #tpu.memory_space<vmem>>, vector<16xi32>,
    %jit3A_633 = arith.constant 0 : i32
    %broadcast_in_dim3A_634 = vector.broadcast %jit3A_633 : i32 to vector<16xi32>
    %select_n3A_635 = arith.select %gt3A_630, %get3A_632, %broadcast_in_dim3A_634 : vector<16xi32>
    %add3A_636 = arith.addi %add3A_625, %select_n3A_635 : vector<16xi32>
    %get3A_637 = arith.constant 1200 : index
    %get3A_638 = tpu.vector_load %arg14[%get3A_637] {strides = array<i32>} : memref<2048xi32, #tpu.memory_space<vmem>>, vector<16xi32>,
    %add3A_639 = arith.addi %add3A_628, %get3A_638 : vector<16xi32>
    %gt3A_640 = arith.constant 3 : i32
    %gt3A_641 = arith.cmpi sgt, %arg1, %gt3A_640 : i32
    %get3A_642 = arith.constant 240 : index
    %get3A_643 = tpu.vector_load %arg14[%get3A_642] {strides = array<i32>} : memref<2048xi32, #tpu.memory_space<vmem>>, vector<16xi32>,
    %jit3A_644 = arith.constant 0 : i32
    %broadcast_in_dim3A_645 = vector.broadcast %jit3A_644 : i32 to vector<16xi32>
    %select_n3A_646 = arith.select %gt3A_641, %get3A_643, %broadcast_in_dim3A_645 : vector<16xi32>
    %add3A_647 = arith.addi %add3A_636, %select_n3A_646 : vector<16xi32>
    %get3A_648 = arith.constant 1264 : index
    %get3A_649 = tpu.vector_load %arg14[%get3A_648] {strides = array<i32>} : memref<2048xi32, #tpu.memory_space<vmem>>, vector<16xi32>,
    %add3A_650 = arith.addi %add3A_639, %get3A_649 : vector<16xi32>
    %gt3A_651 = arith.constant 4 : i32
    %gt3A_652 = arith.cmpi sgt, %arg1, %gt3A_651 : i32
    %get3A_653 = arith.constant 304 : index
    %get3A_654 = tpu.vector_load %arg14[%get3A_653] {strides = array<i32>} : memref<2048xi32, #tpu.memory_space<vmem>>, vector<16xi32>,
    %jit3A_655 = arith.constant 0 : i32
    %broadcast_in_dim3A_656 = vector.broadcast %jit3A_655 : i32 to vector<16xi32>
    %select_n3A_657 = arith.select %gt3A_652, %get3A_654, %broadcast_in_dim3A_656 : vector<16xi32>
    %add3A_658 = arith.addi %add3A_647, %select_n3A_657 : vector<16xi32>
    %get3A_659 = arith.constant 1328 : index
    %get3A_660 = tpu.vector_load %arg14[%get3A_659] {strides = array<i32>} : memref<2048xi32, #tpu.memory_space<vmem>>, vector<16xi32>,
    %add3A_661 = arith.addi %add3A_650, %get3A_660 : vector<16xi32>
    %gt3A_662 = arith.constant 5 : i32
    %gt3A_663 = arith.cmpi sgt, %arg1, %gt3A_662 : i32
    %get3A_664 = arith.constant 368 : index
    %get3A_665 = tpu.vector_load %arg14[%get3A_664] {strides = array<i32>} : memref<2048xi32, #tpu.memory_space<vmem>>, vector<16xi32>,
    %jit3A_666 = arith.constant 0 : i32
    %broadcast_in_dim3A_667 = vector.broadcast %jit3A_666 : i32 to vector<16xi32>
    %select_n3A_668 = arith.select %gt3A_663, %get3A_665, %broadcast_in_dim3A_667 : vector<16xi32>
    %add3A_669 = arith.addi %add3A_658, %select_n3A_668 : vector<16xi32>
    %get3A_670 = arith.constant 1392 : index
    %get3A_671 = tpu.vector_load %arg14[%get3A_670] {strides = array<i32>} : memref<2048xi32, #tpu.memory_space<vmem>>, vector<16xi32>,
    %add3A_672 = arith.addi %add3A_661, %get3A_671 : vector<16xi32>
    %gt3A_673 = arith.constant 6 : i32
    %gt3A_674 = arith.cmpi sgt, %arg1, %gt3A_673 : i32
    %get3A_675 = arith.constant 432 : index
    %get3A_676 = tpu.vector_load %arg14[%get3A_675] {strides = array<i32>} : memref<2048xi32, #tpu.memory_space<vmem>>, vector<16xi32>,
    %jit3A_677 = arith.constant 0 : i32
    %broadcast_in_dim3A_678 = vector.broadcast %jit3A_677 : i32 to vector<16xi32>
    %select_n3A_679 = arith.select %gt3A_674, %get3A_676, %broadcast_in_dim3A_678 : vector<16xi32>
    %add3A_680 = arith.addi %add3A_669, %select_n3A_679 : vector<16xi32>
    %get3A_681 = arith.constant 1456 : index
    %get3A_682 = tpu.vector_load %arg14[%get3A_681] {strides = array<i32>} : memref<2048xi32, #tpu.memory_space<vmem>>, vector<16xi32>,
    %add3A_683 = arith.addi %add3A_672, %get3A_682 : vector<16xi32>
    %gt3A_684 = arith.constant 7 : i32
    %gt3A_685 = arith.cmpi sgt, %arg1, %gt3A_684 : i32
    %get3A_686 = arith.constant 496 : index
    %get3A_687 = tpu.vector_load %arg14[%get3A_686] {strides = array<i32>} : memref<2048xi32, #tpu.memory_space<vmem>>, vector<16xi32>,
    %jit3A_688 = arith.constant 0 : i32
    %broadcast_in_dim3A_689 = vector.broadcast %jit3A_688 : i32 to vector<16xi32>
    %select_n3A_690 = arith.select %gt3A_685, %get3A_687, %broadcast_in_dim3A_689 : vector<16xi32>
    %add3A_691 = arith.addi %add3A_680, %select_n3A_690 : vector<16xi32>
    %get3A_692 = arith.constant 1520 : index
    %get3A_693 = tpu.vector_load %arg14[%get3A_692] {strides = array<i32>} : memref<2048xi32, #tpu.memory_space<vmem>>, vector<16xi32>,
    %add3A_694 = arith.addi %add3A_683, %get3A_693 : vector<16xi32>
    %gt3A_695 = arith.constant 8 : i32
    %gt3A_696 = arith.cmpi sgt, %arg1, %gt3A_695 : i32
    %get3A_697 = arith.constant 560 : index
    %get3A_698 = tpu.vector_load %arg14[%get3A_697] {strides = array<i32>} : memref<2048xi32, #tpu.memory_space<vmem>>, vector<16xi32>,
    %jit3A_699 = arith.constant 0 : i32
    %broadcast_in_dim3A_700 = vector.broadcast %jit3A_699 : i32 to vector<16xi32>
    %select_n3A_701 = arith.select %gt3A_696, %get3A_698, %broadcast_in_dim3A_700 : vector<16xi32>
    %add3A_702 = arith.addi %add3A_691, %select_n3A_701 : vector<16xi32>
    %get3A_703 = arith.constant 1584 : index
    %get3A_704 = tpu.vector_load %arg14[%get3A_703] {strides = array<i32>} : memref<2048xi32, #tpu.memory_space<vmem>>, vector<16xi32>,
    %add3A_705 = arith.addi %add3A_694, %get3A_704 : vector<16xi32>
    %gt3A_706 = arith.constant 9 : i32
    %gt3A_707 = arith.cmpi sgt, %arg1, %gt3A_706 : i32
    %get3A_708 = arith.constant 624 : index
    %get3A_709 = tpu.vector_load %arg14[%get3A_708] {strides = array<i32>} : memref<2048xi32, #tpu.memory_space<vmem>>, vector<16xi32>,
    %jit3A_710 = arith.constant 0 : i32
    %broadcast_in_dim3A_711 = vector.broadcast %jit3A_710 : i32 to vector<16xi32>
    %select_n3A_712 = arith.select %gt3A_707, %get3A_709, %broadcast_in_dim3A_711 : vector<16xi32>
    %add3A_713 = arith.addi %add3A_702, %select_n3A_712 : vector<16xi32>
    %get3A_714 = arith.constant 1648 : index
    %get3A_715 = tpu.vector_load %arg14[%get3A_714] {strides = array<i32>} : memref<2048xi32, #tpu.memory_space<vmem>>, vector<16xi32>,
    %add3A_716 = arith.addi %add3A_705, %get3A_715 : vector<16xi32>
    %gt3A_717 = arith.constant 10 : i32
    %gt3A_718 = arith.cmpi sgt, %arg1, %gt3A_717 : i32
    %get3A_719 = arith.constant 688 : index
    %get3A_720 = tpu.vector_load %arg14[%get3A_719] {strides = array<i32>} : memref<2048xi32, #tpu.memory_space<vmem>>, vector<16xi32>,
    %jit3A_721 = arith.constant 0 : i32
    %broadcast_in_dim3A_722 = vector.broadcast %jit3A_721 : i32 to vector<16xi32>
    %select_n3A_723 = arith.select %gt3A_718, %get3A_720, %broadcast_in_dim3A_722 : vector<16xi32>
    %add3A_724 = arith.addi %add3A_713, %select_n3A_723 : vector<16xi32>
    %get3A_725 = arith.constant 1712 : index
    %get3A_726 = tpu.vector_load %arg14[%get3A_725] {strides = array<i32>} : memref<2048xi32, #tpu.memory_space<vmem>>, vector<16xi32>,
    %add3A_727 = arith.addi %add3A_716, %get3A_726 : vector<16xi32>
    %gt3A_728 = arith.constant 11 : i32
    %gt3A_729 = arith.cmpi sgt, %arg1, %gt3A_728 : i32
    %get3A_730 = arith.constant 752 : index
    %get3A_731 = tpu.vector_load %arg14[%get3A_730] {strides = array<i32>} : memref<2048xi32, #tpu.memory_space<vmem>>, vector<16xi32>,
    %jit3A_732 = arith.constant 0 : i32
    %broadcast_in_dim3A_733 = vector.broadcast %jit3A_732 : i32 to vector<16xi32>
    %select_n3A_734 = arith.select %gt3A_729, %get3A_731, %broadcast_in_dim3A_733 : vector<16xi32>
    %add3A_735 = arith.addi %add3A_724, %select_n3A_734 : vector<16xi32>
    %get3A_736 = arith.constant 1776 : index
    %get3A_737 = tpu.vector_load %arg14[%get3A_736] {strides = array<i32>} : memref<2048xi32, #tpu.memory_space<vmem>>, vector<16xi32>,
    %add3A_738 = arith.addi %add3A_727, %get3A_737 : vector<16xi32>
    %gt3A_739 = arith.constant 12 : i32
    %gt3A_740 = arith.cmpi sgt, %arg1, %gt3A_739 : i32
    %get3A_741 = arith.constant 816 : index
    %get3A_742 = tpu.vector_load %arg14[%get3A_741] {strides = array<i32>} : memref<2048xi32, #tpu.memory_space<vmem>>, vector<16xi32>,
    %jit3A_743 = arith.constant 0 : i32
    %broadcast_in_dim3A_744 = vector.broadcast %jit3A_743 : i32 to vector<16xi32>
    %select_n3A_745 = arith.select %gt3A_740, %get3A_742, %broadcast_in_dim3A_744 : vector<16xi32>
    %add3A_746 = arith.addi %add3A_735, %select_n3A_745 : vector<16xi32>
    %get3A_747 = arith.constant 1840 : index
    %get3A_748 = tpu.vector_load %arg14[%get3A_747] {strides = array<i32>} : memref<2048xi32, #tpu.memory_space<vmem>>, vector<16xi32>,
    %add3A_749 = arith.addi %add3A_738, %get3A_748 : vector<16xi32>
    %gt3A_750 = arith.constant 13 : i32
    %gt3A_751 = arith.cmpi sgt, %arg1, %gt3A_750 : i32
    %get3A_752 = arith.constant 880 : index
    %get3A_753 = tpu.vector_load %arg14[%get3A_752] {strides = array<i32>} : memref<2048xi32, #tpu.memory_space<vmem>>, vector<16xi32>,
    %jit3A_754 = arith.constant 0 : i32
    %broadcast_in_dim3A_755 = vector.broadcast %jit3A_754 : i32 to vector<16xi32>
    %select_n3A_756 = arith.select %gt3A_751, %get3A_753, %broadcast_in_dim3A_755 : vector<16xi32>
    %add3A_757 = arith.addi %add3A_746, %select_n3A_756 : vector<16xi32>
    %get3A_758 = arith.constant 1904 : index
    %get3A_759 = tpu.vector_load %arg14[%get3A_758] {strides = array<i32>} : memref<2048xi32, #tpu.memory_space<vmem>>, vector<16xi32>,
    %add3A_760 = arith.addi %add3A_749, %get3A_759 : vector<16xi32>
    %gt3A_761 = arith.constant 14 : i32
    %gt3A_762 = arith.cmpi sgt, %arg1, %gt3A_761 : i32
    %get3A_763 = arith.constant 944 : index
    %get3A_764 = tpu.vector_load %arg14[%get3A_763] {strides = array<i32>} : memref<2048xi32, #tpu.memory_space<vmem>>, vector<16xi32>,
    %jit3A_765 = arith.constant 0 : i32
    %broadcast_in_dim3A_766 = vector.broadcast %jit3A_765 : i32 to vector<16xi32>
    %select_n3A_767 = arith.select %gt3A_762, %get3A_764, %broadcast_in_dim3A_766 : vector<16xi32>
    %add3A_768 = arith.addi %add3A_757, %select_n3A_767 : vector<16xi32>
    %get3A_769 = arith.constant 1968 : index
    %get3A_770 = tpu.vector_load %arg14[%get3A_769] {strides = array<i32>} : memref<2048xi32, #tpu.memory_space<vmem>>, vector<16xi32>,
    %add3A_771 = arith.addi %add3A_760, %get3A_770 : vector<16xi32>
    %gt3A_772 = arith.constant 15 : i32
    %gt3A_773 = arith.cmpi sgt, %arg1, %gt3A_772 : i32
    %get3A_774 = arith.constant 1008 : index
    %get3A_775 = tpu.vector_load %arg14[%get3A_774] {strides = array<i32>} : memref<2048xi32, #tpu.memory_space<vmem>>, vector<16xi32>,
    %jit3A_776 = arith.constant 0 : i32
    %broadcast_in_dim3A_777 = vector.broadcast %jit3A_776 : i32 to vector<16xi32>
    %select_n3A_778 = arith.select %gt3A_773, %get3A_775, %broadcast_in_dim3A_777 : vector<16xi32>
    %add3A_779 = arith.addi %add3A_768, %select_n3A_778 : vector<16xi32>
    %get3A_780 = arith.constant 2032 : index
    %get3A_781 = tpu.vector_load %arg14[%get3A_780] {strides = array<i32>} : memref<2048xi32, #tpu.memory_space<vmem>>, vector<16xi32>,
    %add3A_782 = arith.addi %add3A_771, %get3A_781 : vector<16xi32>
    %mul3A_783 = vector.broadcast %convert_element_type3A_65 : i32 to vector<16xi32>
    %mul3A_784 = arith.muli %add3A_782, %mul3A_783 : vector<16xi32>
    %add3A_785 = arith.addi %add3A_779, %mul3A_784 : vector<16xi32>
    %swap3A_786 = arith.constant 48 : index
    %swap3A_787 = tpu.vector_load %arg13[%swap3A_786] {strides = array<i32>} : memref<64xi32, #tpu.memory_space<vmem>>, vector<16xi32>,
    tpu.vector_store %arg13[%swap3A_786], %add3A_785 {strides = array<i32>} : memref<64xi32, #tpu.memory_space<vmem>>, vector<16xi32>,
    %scan3A_788 = arith.constant 0 : i32
    %scan3A_789 = arith.constant 0 : i32
    %scan3A_790 = arith.constant 32 : i32
    %scan3A_791 = arith.addi %scan3A_789, %scan3A_790 : i32
    %scan3A_792 = arith.constant 1 : i32
    scf.for %scan3A_800 = %scan3A_789 to %scan3A_791 step %scan3A_792  : i32 {
      %mul3A_801 = arith.constant 16 : i32
      %mul3A_802 = arith.muli %scan3A_800, %mul3A_801 : i32
      %get3A_803 = arith.index_cast %mul3A_802 : i32 to index
      %get3A_804 = tpu.vector_load %arg7[%get3A_803] {strides = array<i32>} : memref<512xi32, #tpu.memory_space<vmem>>, vector<16xi32>,
      %mul3A_805 = arith.constant 16 : i32
      %mul3A_806 = arith.muli %scan3A_800, %mul3A_805 : i32
      %get3A_807 = arith.index_cast %mul3A_806 : i32 to index
      %get3A_808 = tpu.vector_load %arg10[%get3A_807] {strides = array<i32>} : memref<512xi32, #tpu.memory_space<vmem>>, vector<16xi32>,
      %gather3A = tpu.vector_load_idx %arg13[%get3A_804] : memref<64xi32, #tpu.memory_space<vmem>>[vector<16xi32>], vector<16xi32>,
      %add3A_809 = arith.addi %get3A_808, %gather3A : vector<16xi32>
      %mul3A_810 = arith.constant 16 : i32
      %mul3A_811 = arith.muli %scan3A_800, %mul3A_810 : i32
      %swap3A_812 = arith.index_cast %mul3A_811 : i32 to index
      %swap3A_813 = tpu.vector_load %arg10[%swap3A_812] {strides = array<i32>} : memref<512xi32, #tpu.memory_space<vmem>>, vector<16xi32>,
      tpu.vector_store %arg10[%swap3A_812], %add3A_809 {strides = array<i32>} : memref<512xi32, #tpu.memory_space<vmem>>, vector<16xi32>,
    }
    %scan3A_793 = arith.constant 32 : i32
    %mul3A_794 = arith.constant 512 : i32
    %mul3A_795 = arith.muli %arg1, %mul3A_794 : i32
    "tpu.region"() ({
      %run_scoped3A_800 = tpu.sem_alloc : memref<!tpu.dma_semaphore, #tpu.memory_space<semaphore_mem>>
      %dma_start3A = tpu.memref_slice %arg5[%arg0, %mul3A_795] : memref<2x8192xi32, #tpu.memory_space<hbm>> -> memref<1x512xi32, #tpu.memory_space<hbm>>
      %dma_start3A_801 = tpu.memref_squeeze %dma_start3A : memref<1x512xi32, #tpu.memory_space<hbm>> -> memref<512xi32, #tpu.memory_space<hbm>>
      %dma_start3A_802 = tpu.memref_slice %arg5[%arg0, %mul3A_795] : memref<2x8192xi32, #tpu.memory_space<hbm>> -> memref<1x512xi32, #tpu.memory_space<hbm>>
      %dma_start3A_803 = tpu.memref_squeeze %dma_start3A_802 : memref<1x512xi32, #tpu.memory_space<hbm>> -> memref<512xi32, #tpu.memory_space<hbm>>
      tpu.enqueue_dma source(%arg10 : memref<512xi32, #tpu.memory_space<vmem>>) target(%dma_start3A_803 : memref<512xi32, #tpu.memory_space<hbm>>) target_semaphore(%run_scoped3A_800 : memref<!tpu.dma_semaphore, #tpu.memory_space<semaphore_mem>>)
      %dma_wait3A = tpu.memref_slice %arg5[%arg0, %mul3A_795] : memref<2x8192xi32, #tpu.memory_space<hbm>> -> memref<1x512xi32, #tpu.memory_space<hbm>>
      %dma_wait3A_804 = tpu.memref_squeeze %dma_wait3A : memref<1x512xi32, #tpu.memory_space<hbm>> -> memref<512xi32, #tpu.memory_space<hbm>>
      %dma_wait3A_805 = tpu.memref_slice %arg5[%arg0, %mul3A_795] : memref<2x8192xi32, #tpu.memory_space<hbm>> -> memref<1x512xi32, #tpu.memory_space<hbm>>
      %dma_wait3A_806 = tpu.memref_squeeze %dma_wait3A_805 : memref<1x512xi32, #tpu.memory_space<hbm>> -> memref<512xi32, #tpu.memory_space<hbm>>
      tpu.wait_dma2 semaphore(%run_scoped3A_800 : memref<!tpu.dma_semaphore, #tpu.memory_space<semaphore_mem>>) src(%arg10 : memref<512xi32, #tpu.memory_space<vmem>>) dst(%dma_wait3A_806 : memref<512xi32, #tpu.memory_space<hbm>>)
      tpu.yield
    }) : () -> ()
    %mul3A_796 = arith.constant 512 : i32
    %mul3A_797 = arith.muli %arg1, %mul3A_796 : i32
    "tpu.region"() ({
      %run_scoped3A_800 = tpu.sem_alloc : memref<!tpu.dma_semaphore, #tpu.memory_space<semaphore_mem>>
      %dma_start3A = tpu.memref_slice %arg4[%arg0, %mul3A_797] : memref<2x8192xi32, #tpu.memory_space<hbm>> -> memref<1x512xi32, #tpu.memory_space<hbm>>
      %dma_start3A_801 = tpu.memref_squeeze %dma_start3A : memref<1x512xi32, #tpu.memory_space<hbm>> -> memref<512xi32, #tpu.memory_space<hbm>>
      %dma_start3A_802 = tpu.memref_slice %arg4[%arg0, %mul3A_797] : memref<2x8192xi32, #tpu.memory_space<hbm>> -> memref<1x512xi32, #tpu.memory_space<hbm>>
      %dma_start3A_803 = tpu.memref_squeeze %dma_start3A_802 : memref<1x512xi32, #tpu.memory_space<hbm>> -> memref<512xi32, #tpu.memory_space<hbm>>
      tpu.enqueue_dma source(%arg7 : memref<512xi32, #tpu.memory_space<vmem>>) target(%dma_start3A_803 : memref<512xi32, #tpu.memory_space<hbm>>) target_semaphore(%run_scoped3A_800 : memref<!tpu.dma_semaphore, #tpu.memory_space<semaphore_mem>>)
      %dma_wait3A = tpu.memref_slice %arg4[%arg0, %mul3A_797] : memref<2x8192xi32, #tpu.memory_space<hbm>> -> memref<1x512xi32, #tpu.memory_space<hbm>>
      %dma_wait3A_804 = tpu.memref_squeeze %dma_wait3A : memref<1x512xi32, #tpu.memory_space<hbm>> -> memref<512xi32, #tpu.memory_space<hbm>>
      %dma_wait3A_805 = tpu.memref_slice %arg4[%arg0, %mul3A_797] : memref<2x8192xi32, #tpu.memory_space<hbm>> -> memref<1x512xi32, #tpu.memory_space<hbm>>
      %dma_wait3A_806 = tpu.memref_squeeze %dma_wait3A_805 : memref<1x512xi32, #tpu.memory_space<hbm>> -> memref<512xi32, #tpu.memory_space<hbm>>
      tpu.wait_dma2 semaphore(%run_scoped3A_800 : memref<!tpu.dma_semaphore, #tpu.memory_space<semaphore_mem>>) src(%arg7 : memref<512xi32, #tpu.memory_space<vmem>>) dst(%dma_wait3A_806 : memref<512xi32, #tpu.memory_space<hbm>>)
      tpu.yield
    }) : () -> ()
    %mul3A_798 = arith.constant 512 : i32
    %mul3A_799 = arith.muli %arg1, %mul3A_798 : i32
    "tpu.region"() ({
      %run_scoped3A_800 = tpu.sem_alloc : memref<!tpu.dma_semaphore, #tpu.memory_space<semaphore_mem>>
      %dma_start3A = tpu.memref_slice %arg6[%arg0, %mul3A_799] : memref<2x8192xf32, #tpu.memory_space<hbm>> -> memref<1x512xf32, #tpu.memory_space<hbm>>
      %dma_start3A_801 = tpu.memref_squeeze %dma_start3A : memref<1x512xf32, #tpu.memory_space<hbm>> -> memref<512xf32, #tpu.memory_space<hbm>>
      %dma_start3A_802 = tpu.memref_slice %arg6[%arg0, %mul3A_799] : memref<2x8192xf32, #tpu.memory_space<hbm>> -> memref<1x512xf32, #tpu.memory_space<hbm>>
      %dma_start3A_803 = tpu.memref_squeeze %dma_start3A_802 : memref<1x512xf32, #tpu.memory_space<hbm>> -> memref<512xf32, #tpu.memory_space<hbm>>
      tpu.enqueue_dma source(%arg9 : memref<512xf32, #tpu.memory_space<vmem>>) target(%dma_start3A_803 : memref<512xf32, #tpu.memory_space<hbm>>) target_semaphore(%run_scoped3A_800 : memref<!tpu.dma_semaphore, #tpu.memory_space<semaphore_mem>>)
      %dma_wait3A = tpu.memref_slice %arg6[%arg0, %mul3A_799] : memref<2x8192xf32, #tpu.memory_space<hbm>> -> memref<1x512xf32, #tpu.memory_space<hbm>>
      %dma_wait3A_804 = tpu.memref_squeeze %dma_wait3A : memref<1x512xf32, #tpu.memory_space<hbm>> -> memref<512xf32, #tpu.memory_space<hbm>>
      %dma_wait3A_805 = tpu.memref_slice %arg6[%arg0, %mul3A_799] : memref<2x8192xf32, #tpu.memory_space<hbm>> -> memref<1x512xf32, #tpu.memory_space<hbm>>
      %dma_wait3A_806 = tpu.memref_squeeze %dma_wait3A_805 : memref<1x512xf32, #tpu.memory_space<hbm>> -> memref<512xf32, #tpu.memory_space<hbm>>
      tpu.wait_dma2 semaphore(%run_scoped3A_800 : memref<!tpu.dma_semaphore, #tpu.memory_space<semaphore_mem>>) src(%arg9 : memref<512xf32, #tpu.memory_space<vmem>>) dst(%dma_wait3A_806 : memref<512xf32, #tpu.memory_space<hbm>>)
      tpu.yield
    }) : () -> ()
    return
  }
}

module attributes {stable_mosaic.version = 14 : i64} {
  func.func @_gate_block(%arg0: i32, %arg1: memref<1024x2048xf32, #tpu.memory_space<vmem>>, %arg2: memref<64x2048xf32, #tpu.memory_space<vmem>>, %arg3: memref<2x1x1x1024xi32, #tpu.memory_space<vmem>>, %arg4: memref<2x1x1x1024xf32, #tpu.memory_space<vmem>>, %arg5: memref<1x1xf32, #tpu.memory_space<vmem>>, %arg6: memref<1x1xf32, #tpu.memory_space<vmem>>, %arg7: memref<64x1xf32, #tpu.memory_space<vmem>>, %arg8: memref<64x1xf32, #tpu.memory_space<vmem>>, %arg9: memref<1x1xf32, #tpu.memory_space<smem>>) attributes {dimension_semantics = [#tpu.dimension_semantics<arbitrary>], iteration_bounds = array<i64: 8>, scalar_prefetch = 0 : i64, scratch_operands = 3 : i64, tpu.core_type = #tpu.core_type<tc>, window_params = [{transform_indices = @transform_0, window_bounds = array<i64: 1024, 2048>}, {pipeline_mode = #tpu.pipeline_mode<synchronous>, transform_indices = @transform_1, window_bounds = array<i64: 64, 2048>}, {transform_indices = @transform_2, window_bounds = array<i64: 2, 1, 1, 1024>}, {transform_indices = @transform_3, window_bounds = array<i64: 2, 1, 1, 1024>}, {pipeline_mode = #tpu.pipeline_mode<synchronous>, transform_indices = @transform_4, window_bounds = array<i64: 1, 1>}, {pipeline_mode = #tpu.pipeline_mode<synchronous>, transform_indices = @transform_5, window_bounds = array<i64: 1, 1>}]} {
    %eq3A = arith.constant 0 : i32
    %eq3A_0 = arith.cmpi eq, %arg0, %eq3A : i32
    %convert_element_type3A = arith.extui %eq3A_0 : i1 to i32
    %cond3A = arith.constant 0 : i32
    %cond3A_1 = arith.cmpi ne, %convert_element_type3A, %cond3A : i32
    scf.if %cond3A_1 {
      %broadcast_in_dim3A_109 = arith.constant 0.000000e+00 : f32
      %broadcast_in_dim3A_110 = vector.broadcast %broadcast_in_dim3A_109 : f32 to vector<64x1xf32>
      %swap3A_111 = arith.constant 0 : index
      %swap3A_112 = arith.constant 0 : index
      %swap3A_113 = vector.load %arg7[%swap3A_111, %swap3A_112] : memref<64x1xf32, #tpu.memory_space<vmem>>, vector<64x1xf32>
      tpu.vector_store %arg7[%swap3A_111, %swap3A_112], %broadcast_in_dim3A_110 {strides = array<i32>} : memref<64x1xf32, #tpu.memory_space<vmem>>, vector<64x1xf32>,
      %broadcast_in_dim3A_114 = arith.constant 0.000000e+00 : f32
      %broadcast_in_dim3A_115 = vector.broadcast %broadcast_in_dim3A_114 : f32 to vector<64x1xf32>
      %swap3A_116 = arith.constant 0 : index
      %swap3A_117 = arith.constant 0 : index
      %swap3A_118 = vector.load %arg8[%swap3A_116, %swap3A_117] : memref<64x1xf32, #tpu.memory_space<vmem>>, vector<64x1xf32>
      tpu.vector_store %arg8[%swap3A_116, %swap3A_117], %broadcast_in_dim3A_115 {strides = array<i32>} : memref<64x1xf32, #tpu.memory_space<vmem>>, vector<64x1xf32>,
      %swap3A_119 = arith.constant 0.000000e+00 : f32
      %swap3A_120 = arith.constant 0 : index
      %swap3A_121 = arith.constant 0 : index
      %swap3A_122 = memref.load %arg9[%swap3A_120, %swap3A_121] : memref<1x1xf32, #tpu.memory_space<smem>>
      memref.store %swap3A_119, %arg9[%swap3A_120, %swap3A_121] : memref<1x1xf32, #tpu.memory_space<smem>>
    } else {
    }
    %get3A = arith.constant 0 : index
    %get3A_2 = arith.constant 0 : index
    %get3A_3 = vector.load %arg2[%get3A, %get3A_2] : memref<64x2048xf32, #tpu.memory_space<vmem>>, vector<64x2048xf32>
    %get3A_4 = arith.constant 0 : index
    %get3A_5 = arith.constant 0 : index
    %get3A_6 = vector.load %arg1[%get3A_4, %get3A_5] : memref<1024x2048xf32, #tpu.memory_space<vmem>>, vector<1024x2048xf32>
    %dot_general3A = arith.constant dense<0.000000e+00> : vector<64x1024xf32>
    %dot_general3A_7 = tpu.matmul %get3A_3, %get3A_6, %dot_general3A {dimension_numbers = #tpu.dot_dimension_numbers<[1], [1], [0], [0], [0, 0, 1, 0], [], []>, transpose_lhs_hint = false} : vector<64x2048xf32>, vector<1024x2048xf32>, vector<64x1024xf32> -> vector<64x1024xf32>
    %reduce_max3A = arith.constant dense<0xFF800000> : vector<1024xf32>
    %reduce_max3A_8 = vector.multi_reduction <maximumf>, %dot_general3A_7, %reduce_max3A [0] : vector<64x1024xf32> to vector<1024xf32>
    %broadcast_in_dim3A = vector.shape_cast %reduce_max3A_8 : vector<1024xf32> to vector<1x1024xf32>
    %sub3A = vector.broadcast %broadcast_in_dim3A : vector<1x1024xf32> to vector<64x1024xf32>
    %sub3A_9 = arith.subf %dot_general3A_7, %sub3A : vector<64x1024xf32>
    %exp3A = math.exp %sub3A_9 : vector<64x1024xf32>
    %reduce_sum3A = arith.constant dense<0.000000e+00> : vector<1024xf32>
    %reduce_sum3A_10 = vector.multi_reduction <add>, %exp3A, %reduce_sum3A [0] : vector<64x1024xf32> to vector<1024xf32>
    %broadcast_in_dim3A_11 = vector.shape_cast %reduce_sum3A_10 : vector<1024xf32> to vector<1x1024xf32>
    %div3A = vector.broadcast %broadcast_in_dim3A_11 : vector<1x1024xf32> to vector<64x1024xf32>
    %div3A_12 = arith.divf %exp3A, %div3A : vector<64x1024xf32>
    %jit3A = arith.constant 1.1920929E-7 : f32
    %jit3A_13 = arith.constant 1.000000e+00 : f32
    %max3A = vector.broadcast %jit3A : f32 to vector<64x1024xf32>
    %max3A_14 = arith.maximumf %max3A, %div3A_12 : vector<64x1024xf32>
    %min3A = vector.broadcast %jit3A_13 : f32 to vector<64x1024xf32>
    %min3A_15 = arith.minimumf %min3A, %max3A_14 : vector<64x1024xf32>
    %log3A = math.log %min3A_15 : vector<64x1024xf32>
    %get3A_16 = arith.constant 0 : index
    %get3A_17 = arith.constant 0 : index
    %get3A_18 = memref.load %arg9[%get3A_16, %get3A_17] : memref<1x1xf32, #tpu.memory_space<smem>>
    %mul3A = arith.mulf %div3A_12, %log3A : vector<64x1024xf32>
    %reduce_sum3A_19 = vector.shape_cast %mul3A : vector<64x1024xf32> to vector<1x64x1024xf32>
    %reduce_sum3A_20 = arith.constant dense<0.000000e+00> : vector<1xf32>
    %reduce_sum3A_21 = vector.multi_reduction <add>, %reduce_sum3A_19, %reduce_sum3A_20 [1, 2] : vector<1x64x1024xf32> to vector<1xf32>
    %reduce_sum3A_22 = vector.shape_cast %reduce_sum3A_21 : vector<1xf32> to vector<1x1x1xf32>
    %reduce_sum3A_23 = vector.extract %reduce_sum3A_22[0, 0, 0] : f32 from vector<1x1x1xf32>
    %neg3A = arith.constant 0.000000e+00 : f32
    %neg3A_24 = arith.subf %neg3A, %reduce_sum3A_23 : f32
    %add3A = arith.addf %get3A_18, %neg3A_24 : f32
    %swap3A = arith.constant 0 : index
    %swap3A_25 = arith.constant 0 : index
    %swap3A_26 = memref.load %arg9[%swap3A, %swap3A_25] : memref<1x1xf32, #tpu.memory_space<smem>>
    memref.store %add3A, %arg9[%swap3A, %swap3A_25] : memref<1x1xf32, #tpu.memory_space<smem>>
    %iota3A = tpu.iota {dimensions = array<i32: 0>} : vector<64x1024xi32>
    %reduce_max3A_27 = arith.constant dense<0xFF800000> : vector<1024xf32>
    %reduce_max3A_28 = vector.multi_reduction <maximumf>, %div3A_12, %reduce_max3A_27 [0] : vector<64x1024xf32> to vector<1024xf32>
    %broadcast_in_dim3A_29 = vector.shape_cast %reduce_max3A_28 : vector<1024xf32> to vector<1x1024xf32>
    %eq3A_30 = vector.broadcast %broadcast_in_dim3A_29 : vector<1x1024xf32> to vector<64x1024xf32>
    %eq3A_31 = arith.cmpf oeq, %div3A_12, %eq3A_30 : vector<64x1024xf32>
    %jit3A_32 = arith.constant 64 : i32
    %broadcast_in_dim3A_33 = vector.broadcast %jit3A_32 : i32 to vector<64x1024xi32>
    %select_n3A = arith.select %eq3A_31, %iota3A, %broadcast_in_dim3A_33 : vector<64x1024xi1>, vector<64x1024xi32>
    %reduce_min3A = arith.constant dense<2147483647> : vector<1024xi32>
    %reduce_min3A_34 = vector.multi_reduction <minsi>, %select_n3A, %reduce_min3A [0] : vector<64x1024xi32> to vector<1024xi32>
    %broadcast_in_dim3A_35 = vector.shape_cast %reduce_min3A_34 : vector<1024xi32> to vector<1x1024xi32>
    %eq3A_36 = vector.broadcast %broadcast_in_dim3A_35 : vector<1x1024xi32> to vector<64x1024xi32>
    %eq3A_37 = arith.cmpi eq, %iota3A, %eq3A_36 : vector<64x1024xi32>
    %jit3A_38 = arith.constant -1.000000e+00 : f32
    %broadcast_in_dim3A_39 = vector.broadcast %jit3A_38 : f32 to vector<64x1024xf32>
    %select_n3A_40 = arith.select %eq3A_37, %broadcast_in_dim3A_39, %div3A_12 : vector<64x1024xi1>, vector<64x1024xf32>
    %reduce_max3A_41 = arith.constant dense<0xFF800000> : vector<1024xf32>
    %reduce_max3A_42 = vector.multi_reduction <maximumf>, %select_n3A_40, %reduce_max3A_41 [0] : vector<64x1024xf32> to vector<1024xf32>
    %broadcast_in_dim3A_43 = vector.shape_cast %reduce_max3A_42 : vector<1024xf32> to vector<1x1024xf32>
    %eq3A_44 = vector.broadcast %broadcast_in_dim3A_43 : vector<1x1024xf32> to vector<64x1024xf32>
    %eq3A_45 = arith.cmpf oeq, %select_n3A_40, %eq3A_44 : vector<64x1024xf32>
    %jit3A_46 = arith.constant 64 : i32
    %broadcast_in_dim3A_47 = vector.broadcast %jit3A_46 : i32 to vector<64x1024xi32>
    %select_n3A_48 = arith.select %eq3A_45, %iota3A, %broadcast_in_dim3A_47 : vector<64x1024xi1>, vector<64x1024xi32>
    %reduce_min3A_49 = arith.constant dense<2147483647> : vector<1024xi32>
    %reduce_min3A_50 = vector.multi_reduction <minsi>, %select_n3A_48, %reduce_min3A_49 [0] : vector<64x1024xi32> to vector<1024xi32>
    %broadcast_in_dim3A_51 = vector.shape_cast %reduce_min3A_50 : vector<1024xi32> to vector<1x1024xi32>
    %eq3A_52 = vector.broadcast %broadcast_in_dim3A_35 : vector<1x1024xi32> to vector<64x1024xi32>
    %eq3A_53 = arith.cmpi eq, %iota3A, %eq3A_52 : vector<64x1024xi32>
    %convert_element_type3A_54 = arith.extui %eq3A_53 : vector<64x1024xi1> to vector<64x1024xi32>
    %convert_element_type3A_55 = arith.sitofp %convert_element_type3A_54 : vector<64x1024xi32> to vector<64x1024xf32>
    %get3A_56 = arith.constant 0 : index
    %get3A_57 = arith.constant 0 : index
    %get3A_58 = vector.load %arg7[%get3A_56, %get3A_57] : memref<64x1xf32, #tpu.memory_space<vmem>>, vector<64x1xf32>
    %reduce_sum3A_59 = arith.constant dense<0.000000e+00> : vector<64xf32>
    %reduce_sum3A_60 = vector.multi_reduction <add>, %div3A_12, %reduce_sum3A_59 [1] : vector<64x1024xf32> to vector<64xf32>
    %broadcast_in_dim3A_61 = vector.shape_cast %reduce_sum3A_60 : vector<64xf32> to vector<64x1xf32>
    %add3A_62 = arith.addf %get3A_58, %broadcast_in_dim3A_61 : vector<64x1xf32>
    %swap3A_63 = arith.constant 0 : index
    %swap3A_64 = arith.constant 0 : index
    %swap3A_65 = vector.load %arg7[%swap3A_63, %swap3A_64] : memref<64x1xf32, #tpu.memory_space<vmem>>, vector<64x1xf32>
    tpu.vector_store %arg7[%swap3A_63, %swap3A_64], %add3A_62 {strides = array<i32>} : memref<64x1xf32, #tpu.memory_space<vmem>>, vector<64x1xf32>,
    %get3A_66 = arith.constant 0 : index
    %get3A_67 = arith.constant 0 : index
    %get3A_68 = vector.load %arg8[%get3A_66, %get3A_67] : memref<64x1xf32, #tpu.memory_space<vmem>>, vector<64x1xf32>
    %reduce_sum3A_69 = arith.constant dense<0.000000e+00> : vector<64xf32>
    %reduce_sum3A_70 = vector.multi_reduction <add>, %convert_element_type3A_55, %reduce_sum3A_69 [1] : vector<64x1024xf32> to vector<64xf32>
    %broadcast_in_dim3A_71 = vector.shape_cast %reduce_sum3A_70 : vector<64xf32> to vector<64x1xf32>
    %add3A_72 = arith.addf %get3A_68, %broadcast_in_dim3A_71 : vector<64x1xf32>
    %swap3A_73 = arith.constant 0 : index
    %swap3A_74 = arith.constant 0 : index
    %swap3A_75 = vector.load %arg8[%swap3A_73, %swap3A_74] : memref<64x1xf32, #tpu.memory_space<vmem>>, vector<64x1xf32>
    tpu.vector_store %arg8[%swap3A_73, %swap3A_74], %add3A_72 {strides = array<i32>} : memref<64x1xf32, #tpu.memory_space<vmem>>, vector<64x1xf32>,
    %swap3A_76 = arith.constant 0 : index
    %swap3A_77 = arith.constant 0 : index
    %swap3A_78 = arith.constant 0 : index
    %swap3A_79 = arith.constant 0 : index
    %swap3A_80 = vector.load %arg3[%swap3A_76, %swap3A_77, %swap3A_78, %swap3A_79] : memref<2x1x1x1024xi32, #tpu.memory_space<vmem>>, vector<1x1x1x1024xi32>
    %swap3A_81 = vector.shape_cast %swap3A_80 : vector<1x1x1x1024xi32> to vector<1x1024xi32>
    %swap3A_82 = vector.shape_cast %broadcast_in_dim3A_35 : vector<1x1024xi32> to vector<1x1x1x1024xi32>
    tpu.vector_store %arg3[%swap3A_76, %swap3A_77, %swap3A_78, %swap3A_79], %swap3A_82 {strides = array<i32>} : memref<2x1x1x1024xi32, #tpu.memory_space<vmem>>, vector<1x1x1x1024xi32>,
    %swap3A_83 = arith.constant 1 : index
    %swap3A_84 = arith.constant 0 : index
    %swap3A_85 = arith.constant 0 : index
    %swap3A_86 = arith.constant 0 : index
    %swap3A_87 = vector.load %arg3[%swap3A_83, %swap3A_84, %swap3A_85, %swap3A_86] : memref<2x1x1x1024xi32, #tpu.memory_space<vmem>>, vector<1x1x1x1024xi32>
    %swap3A_88 = vector.shape_cast %swap3A_87 : vector<1x1x1x1024xi32> to vector<1x1024xi32>
    %swap3A_89 = vector.shape_cast %broadcast_in_dim3A_51 : vector<1x1024xi32> to vector<1x1x1x1024xi32>
    tpu.vector_store %arg3[%swap3A_83, %swap3A_84, %swap3A_85, %swap3A_86], %swap3A_89 {strides = array<i32>} : memref<2x1x1x1024xi32, #tpu.memory_space<vmem>>, vector<1x1x1x1024xi32>,
    %swap3A_90 = arith.constant 0 : index
    %swap3A_91 = arith.constant 0 : index
    %swap3A_92 = arith.constant 0 : index
    %swap3A_93 = arith.constant 0 : index
    %swap3A_94 = vector.load %arg4[%swap3A_90, %swap3A_91, %swap3A_92, %swap3A_93] : memref<2x1x1x1024xf32, #tpu.memory_space<vmem>>, vector<1x1x1x1024xf32>
    %swap3A_95 = vector.shape_cast %swap3A_94 : vector<1x1x1x1024xf32> to vector<1x1024xf32>
    %swap3A_96 = vector.shape_cast %broadcast_in_dim3A_29 : vector<1x1024xf32> to vector<1x1x1x1024xf32>
    tpu.vector_store %arg4[%swap3A_90, %swap3A_91, %swap3A_92, %swap3A_93], %swap3A_96 {strides = array<i32>} : memref<2x1x1x1024xf32, #tpu.memory_space<vmem>>, vector<1x1x1x1024xf32>,
    %swap3A_97 = arith.constant 1 : index
    %swap3A_98 = arith.constant 0 : index
    %swap3A_99 = arith.constant 0 : index
    %swap3A_100 = arith.constant 0 : index
    %swap3A_101 = vector.load %arg4[%swap3A_97, %swap3A_98, %swap3A_99, %swap3A_100] : memref<2x1x1x1024xf32, #tpu.memory_space<vmem>>, vector<1x1x1x1024xf32>
    %swap3A_102 = vector.shape_cast %swap3A_101 : vector<1x1x1x1024xf32> to vector<1x1024xf32>
    %swap3A_103 = vector.shape_cast %broadcast_in_dim3A_43 : vector<1x1024xf32> to vector<1x1x1x1024xf32>
    tpu.vector_store %arg4[%swap3A_97, %swap3A_98, %swap3A_99, %swap3A_100], %swap3A_103 {strides = array<i32>} : memref<2x1x1x1024xf32, #tpu.memory_space<vmem>>, vector<1x1x1x1024xf32>,
    %eq3A_104 = arith.constant 7 : i32
    %eq3A_105 = arith.cmpi eq, %arg0, %eq3A_104 : i32
    %convert_element_type3A_106 = arith.extui %eq3A_105 : i1 to i32
    %cond3A_107 = arith.constant 0 : i32
    %cond3A_108 = arith.cmpi ne, %convert_element_type3A_106, %cond3A_107 : i32
    scf.if %cond3A_108 {
      %get3A_109 = arith.constant 0 : index
      %get3A_110 = arith.constant 0 : index
      %get3A_111 = vector.load %arg7[%get3A_109, %get3A_110] : memref<64x1xf32, #tpu.memory_space<vmem>>, vector<64x1xf32>
      %get3A_112 = arith.constant 0 : index
      %get3A_113 = arith.constant 0 : index
      %get3A_114 = vector.load %arg8[%get3A_112, %get3A_113] : memref<64x1xf32, #tpu.memory_space<vmem>>, vector<64x1xf32>
      %mul3A_115 = arith.mulf %get3A_111, %get3A_114 : vector<64x1xf32>
      %reduce_sum3A_116 = vector.shape_cast %mul3A_115 : vector<64x1xf32> to vector<1x64x1xf32>
      %reduce_sum3A_117 = arith.constant dense<0.000000e+00> : vector<1xf32>
      %reduce_sum3A_118 = vector.multi_reduction <add>, %reduce_sum3A_116, %reduce_sum3A_117 [1, 2] : vector<1x64x1xf32> to vector<1xf32>
      %reduce_sum3A_119 = vector.shape_cast %reduce_sum3A_118 : vector<1xf32> to vector<1x1x1xf32>
      %reduce_sum3A_120 = vector.extract %reduce_sum3A_119[0, 0, 0] : f32 from vector<1x1x1xf32>
      %mul3A_121 = arith.constant 9.53674316E-7 : f32
      %mul3A_122 = arith.mulf %reduce_sum3A_120, %mul3A_121 : f32
      %reshape3A = vector.broadcast %mul3A_122 : f32 to vector<1x1xf32>
      %swap3A_123 = arith.constant 0 : index
      %swap3A_124 = arith.constant 0 : index
      %swap3A_125 = vector.load %arg5[%swap3A_123, %swap3A_124] : memref<1x1xf32, #tpu.memory_space<vmem>>, vector<1x1xf32>
      tpu.vector_store %arg5[%swap3A_123, %swap3A_124], %reshape3A {strides = array<i32>} : memref<1x1xf32, #tpu.memory_space<vmem>>, vector<1x1xf32>,
      %get3A_126 = arith.constant 0 : index
      %get3A_127 = arith.constant 0 : index
      %get3A_128 = memref.load %arg9[%get3A_126, %get3A_127] : memref<1x1xf32, #tpu.memory_space<smem>>
      %mul3A_129 = arith.constant 1.22070313E-4 : f32
      %mul3A_130 = arith.mulf %get3A_128, %mul3A_129 : f32
      %reshape3A_131 = vector.broadcast %mul3A_130 : f32 to vector<1x1xf32>
      %swap3A_132 = arith.constant 0 : index
      %swap3A_133 = arith.constant 0 : index
      %swap3A_134 = vector.load %arg6[%swap3A_132, %swap3A_133] : memref<1x1xf32, #tpu.memory_space<vmem>>, vector<1x1xf32>
      tpu.vector_store %arg6[%swap3A_132, %swap3A_133], %reshape3A_131 {strides = array<i32>} : memref<1x1xf32, #tpu.memory_space<vmem>>, vector<1x1xf32>,
    } else {
    }
    return
  }
  func.func @transform_0(%arg0: i32) -> (i32, i32) {
    %c0_i32 = arith.constant 0 : i32
    %c0_i32_0 = arith.constant 0 : i32
    return %arg0, %c0_i32 : i32, i32
  }
  func.func @transform_1(%arg0: i32) -> (i32, i32) {
    %c0_i32 = arith.constant 0 : i32
    %c0_i32_0 = arith.constant 0 : i32
    %c0_i32_1 = arith.constant 0 : i32
    return %c0_i32, %c0_i32_0 : i32, i32
  }
  func.func @transform_2(%arg0: i32) -> (i32, i32, i32, i32) {
    %c0_i32 = arith.constant 0 : i32
    %c0_i32_0 = arith.constant 0 : i32
    %c0_i32_1 = arith.constant 0 : i32
    %c0_i32_2 = arith.constant 0 : i32
    return %c0_i32, %arg0, %c0_i32_0, %c0_i32_1 : i32, i32, i32, i32
  }
  func.func @transform_3(%arg0: i32) -> (i32, i32, i32, i32) {
    %c0_i32 = arith.constant 0 : i32
    %c0_i32_0 = arith.constant 0 : i32
    %c0_i32_1 = arith.constant 0 : i32
    %c0_i32_2 = arith.constant 0 : i32
    return %c0_i32, %arg0, %c0_i32_0, %c0_i32_1 : i32, i32, i32, i32
  }
  func.func @transform_4(%arg0: i32) -> (i32, i32) {
    %c0_i32 = arith.constant 0 : i32
    %c0_i32_0 = arith.constant 0 : i32
    %c0_i32_1 = arith.constant 0 : i32
    return %c0_i32, %c0_i32_0 : i32, i32
  }
  func.func @transform_5(%arg0: i32) -> (i32, i32) {
    %c0_i32 = arith.constant 0 : i32
    %c0_i32_0 = arith.constant 0 : i32
    %c0_i32_1 = arith.constant 0 : i32
    return %c0_i32, %c0_i32_0 : i32, i32
  }
}

</mosaic_0001>

<sc_bundles>
// kernel: kernel.4.cloned.1.call-start
scs
__scs_entry_jumppad:
0x0: {  	(pc) =	sbr.rel $0x88, $3  }
0x1: {  	(tag) =	ssettag $0x0;
	lr =	simm.s32 $0x1  }
0x2: {  	[smem:$0x3F9F] =	sst lr;
	_ =	strace $0xD0000000  }
0x3: {  	_ = 	snop  }
0x4: {  	_ = 	snop  }
0x5: {  	_ = 	snop  }
0x6: {  	_ = 	snop  }
0x7: {  	_ = 	snop  }
__scs_overlays_trampoline_lowered:
0x8: {  	[smem:$0x3FAE] =	sst s0  }
0x9: {  	[smem:$0x3FAF] =	sst s1  }
0xa: {  	[smem:$0x3FB0] =	sst s2  }
0xb: {  	[smem:$0x3FB1] =	sst s3  }
0xc: {  	[smem:$0x3FB2] =	sst s4  }
0xd: {  	[smem:$0x3FB3] =	sst s5  }
0xe: {  	[smem:$0x3FB4] =	sst s6  }
0xf: {  	[smem:$0x3FB5] =	sst s7  }
0x10: {  	[smem:$0x3FB6] =	sst s8  }
0x11: {  	[smem:$0x3FB7] =	sst s9;
	s0 =	simm.s32 @!p0 $0x0  }
0x12: {  	s1 =	sld [smem:$0x3F9D];
	s0 =	simm.s32 @p0 $0x1  }
0x13: {  	[smem:$0x3FB8] =	sst s0;
	s0 =	simm.s32 @!p1 $0x0  }
0x14: {  	s2 =	sld [smem:$0x3F9C];
	s0 =	simm.s32 @p1 $0x1  }
0x15: {  	[smem:$0x3FB9] =	sst s0;
	s0 =	simm.s32 @!p2 $0x0  }
0x16: {  	s3 =	sld [smem:$0x3FDB];
	s0 =	simm.s32 @p2 $0x1  }
0x17: {  	s4 =	simm.s32 $0x1BF5;
	[smem:$0x3FBB] =	sst s0  }
0x18: {  	s0 =	sld [smem:$0x3F9E];
	_ =	swait.ge [sflag:s4], $0x0  }
0x19: {  	s7 =	sld [smem:$0x3F9F]  }
0x1a: {  	s8 =	sadd.s32 $0xFFFFE003, lr  }
0x1b: {  	s9 =	sadd.s32 $0xFFFFFEF7, lr;
	s5 =	simm.s32 $0xFFFFFFFF;
	p2 =	slt.u32 s8, $0xFFFFF086  }
0x1c: {  	p1 =	slt.u32 s9, $0xF7A;
	s5 =	simm.s32 @!p2 $0x0  }
0x1d: {  	s5 =	simm.s32 @p1 $0x1;
	p0 =	seq.s32 s7, s2  }
0x1e: {  	s7 =	smul.u32 @!p0 $0xF7A, s2;
	p2 =	seq.s32 @!p0 s5, $0x0  }
0x1f: {  	s9 =	smul.u32 $0xF7A, s1;
	s8 =	simm.s32 @!p0 $0x1BF5;
	p2 =	por !p2, p0  }
0x20: {  	[sflag:s8] =	ssyncset.s32 @!p0 $0xFFFFF086;
	s6 =	sadd.s32 @!p0 s3, s7;
	s7 =	simm.s32 @!p0 $0x108  }
0x21: {  	s3 =	sadd.s32 s3, s9;
	s6 =	sadd.s32 @!p0 $0x88, s6;
	s7 =	simm.s32 @p2 $0x1082  }
0x22: {  	[simem:s7], [sflag:s8] =	dma.local @!p0 [hbm:s6], $0xF7A  }
0x23: {  	s9 =	sor.u32 $0xD0000000, s2;
	s6 =	simm.s32 $0x108;
	_ =	swait.ge @!p0 [sflag:s8], $0x0  }
0x24: {  	s3 =	sadd.s32 $0x88, s3;
	s6 =	simm.s32 @!p1 $0x1082;
	[sflag:s4] =	ssyncset.s32 $0xFFFFF086  }
0x25: {  	[simem:s6], [sflag:s4] =	dma.local [hbm:s3], $0xF7A  }
0x26: {  	[smem:$0x3F9F] =	sst s1;
	(tag) =	ssettag s2;
	_ =	strace s9  }
0x27: {  	s1 =	sld [smem:$0x3FAF]  }
0x28: {  	s2 =	sld [smem:$0x3FB0]  }
0x29: {  	s4 =	sld [smem:$0x3FB2]  }
0x2a: {  	p0 =	seq.s32 s5, $0x0;
	s5 =	sld [smem:$0x3FB3]  }
0x2b: {  	s6 =	sld [smem:$0x3FB4]  }
0x2c: {  	s7 =	sld [smem:$0x3FB5]  }
0x2d: {  	s3 =	simm.s32 $0x108;
	s8 =	sld [smem:$0x3FB6]  }
0x2e: {  	s3 =	simm.s32 @!p0 $0x1082;
	s9 =	sld [smem:$0x3FB7]  }
0x2f: {  	lr =	sadd.s32 s0, s3;
	s0 =	sld [smem:$0x3FAE]  }
0x30: {  	s3 =	sld [smem:$0x3FB1]  }
0x31: {  	[smem:$0x3FBA] =	sst s10  }
0x32: {  	s10 =	sld [smem:$0x3FB8];
	_ =	sdelay $0x3  }
0x33: {  	p0 =	seq.s32 s10, $0x1;
	s10 =	sld [smem:$0x3FBA];
	_ =	sdelay $0x3  }
0x34: {  	[smem:$0x3FBA] =	sst s10  }
0x35: {  	s10 =	sld [smem:$0x3FB9];
	_ =	sdelay $0x3  }
0x36: {  	p1 =	seq.s32 s10, $0x1;
	s10 =	sld [smem:$0x3FBA];
	_ =	sdelay $0x3  }
0x37: {  	[smem:$0x3FBA] =	sst s10  }
0x38: {  	s10 =	sld [smem:$0x3FBB]  }
0x39: {  	_ = 	snop;
	(pc) =	sbr.ind lr, $3  }
0x3a: {  	_ = 	snop  }
0x3b: {  	_ = 	snop  }
0x3c: {  	p2 =	seq.s32 s10, $0x1;
	s10 =	sld [smem:$0x3FBA]  }
0x3d: {  	_ =	shalt  }
0x3e: {  	_ =	shalt  }
0x3f: {  	_ =	shalt  }
0x40: {  	_ =	shalt  }
0x41: {  	_ =	shalt  }
0x42: {  	_ =	shalt  }
0x43: {  	_ =	shalt  }
0x44: {  	_ =	shalt  }
0x45: {  	_ =	shalt  }
0x46: {  	_ =	shalt  }
0x47: {  	_ =	shalt  }
0x48: {  	_ =	shalt  }
0x49: {  	_ =	shalt  }
0x4a: {  	_ =	shalt  }
0x4b: {  	_ =	shalt  }
0x4c: {  	_ =	shalt  }
0x4d: {  	_ =	shalt  }
0x4e: {  	_ =	shalt  }
0x4f: {  	_ =	shalt  }
0x50: {  	_ =	shalt  }
0x51: {  	_ =	shalt  }
0x52: {  	_ =	shalt  }
0x53: {  	_ =	shalt  }
0x54: {  	_ =	shalt  }
0x55: {  	_ =	shalt  }
0x56: {  	_ =	shalt  }
0x57: {  	_ =	shalt  }
0x58: {  	_ =	shalt  }
0x59: {  	_ =	shalt  }
0x5a: {  	_ =	shalt  }
0x5b: {  	_ =	shalt  }
0x5c: {  	_ =	shalt  }
0x5d: {  	_ =	shalt  }
0x5e: {  	_ =	shalt  }
0x5f: {  	_ =	shalt  }
0x60: {  	_ =	shalt  }
0x61: {  	_ =	shalt  }
0x62: {  	_ =	shalt  }
0x63: {  	_ =	shalt  }
0x64: {  	_ =	shalt  }
0x65: {  	_ =	shalt  }
0x66: {  	_ =	shalt  }
0x67: {  	_ =	shalt  }
0x68: {  	_ =	shalt  }
0x69: {  	_ =	shalt  }
0x6a: {  	_ =	shalt  }
0x6b: {  	_ =	shalt  }
0x6c: {  	_ =	shalt  }
0x6d: {  	_ =	shalt  }
0x6e: {  	_ =	shalt  }
0x6f: {  	_ =	shalt  }
0x70: {  	_ =	shalt  }
0x71: {  	_ =	shalt  }
0x72: {  	_ =	shalt  }
0x73: {  	_ =	shalt  }
0x74: {  	_ =	shalt  }
0x75: {  	_ =	shalt  }
0x76: {  	_ =	shalt  }
0x77: {  	_ =	shalt  }
0x78: {  	_ =	shalt  }
0x79: {  	_ =	shalt  }
0x7a: {  	_ =	shalt  }
0x7b: {  	_ =	shalt  }
0x7c: {  	_ =	shalt  }
0x7d: {  	_ =	shalt  }
0x7e: {  	_ =	shalt  }
0x7f: {  	_ =	shalt  }
0x80: {  	_ =	shalt  }
0x81: {  	_ =	shalt  }
0x82: {  	_ =	shalt  }
0x83: {  	_ =	shalt  }
0x84: {  	_ =	shalt  }
0x85: {  	_ =	shalt  }
0x86: {  	_ =	shalt  }
0x87: {  	_ =	shalt  }
.Lfunc_end0:
.L_simem_size_0:
called_computation_lowered:
.L_overlay_start_0:
0x88: {  	s2 =	sld [smem:$0x3FD9]  }
0x89: {  	s3 =	sld [smem:$0x3FFE];
	_ =	sdelay $0x1  }
0x8a: {  	s1 =	srdreg.scid  }
0x8b: {  	s0 =	sand.u32 $0x1, s1  }
0x8c: {  	s14 =	sshll.u32 s0, $0xA;
	s2 =	sadd.s32 s3, s2  }
0x8d: {  	s2 =	sadd.s32 s2, s14  }
0x8e: {  	[smem:$0x3FC6] =	sst s2  }
0x8f: {  	_ = 	snop  }
0x90: {  	s2 =	sld [smem:$0x3FD0];
	_ =	sdelay $0x2  }
0x91: {  	s15 =	simm.s32 $0xA;
	s4 =	simm.s32 $0x10  }
0x92: {  	[smem:s4], [sflag:s15] =	dma.local [hbm:s2], $0x1  }
0x93: {  	_ =	swait.eq [sflag:s15], $0x1  }
0x94: {  	s16 =	sld [smem:$0x12];
	[sflag:s15] =	ssyncset.done $0x0  }
0x95: {  	s17 =	sld [smem:$0x13];
	[sflag:s15] =	ssyncadd.s32 $0xFFFFFFFF  }
0x96: {  	s18 =	sld [smem:$0x14];
	(tm) =	ssettm $0x1  }
0x97: {  	s5 =	sld [smem:$0x3FFB];
	_ =	sdelay $0x3  }
0x98: {  	_ =	strace s5  }
0x99: {  	s5 =	sld [smem:$0x3FFC];
	_ =	sdelay $0x3  }
0x9a: {  	_ =	strace s5  }
0x9b: {  	s5 =	sld [smem:$0x3FFD];
	_ =	sdelay $0x3  }
0x9c: {  	_ =	strace s5  }
0x9d: {  	_ =	strace $0x8FFFFFFF  }
0x9e: {  	s19 =	sld [smem:$0x3FDB];
	_ =	sdelay $0x1  }
0x9f: {  	s6 =	simm.s32 $_scs_section_size  }
0xa0: {  	s7 =	simm.s32 $_size__tile_overlayer_lowered;
	s8 =	simm.s32 $_tile_overlayer_lowered  }
0xa1: {  	s22 =	simm.s32 $0x1BFF;
	s21 =	sshll.u32 s8, $0x1;
	s5 =	sadd.s32 s6, s19  }
0xa2: {  	s9 =	simm.s32 $0x0;
	s20 =	sshll.u32 s7, $0x1;
	s7 =	sadd.s32 s21, s5  }
0xa3: {  	[timem:s9], [sflag:s22] =	dma.local [hbm:s7], s20  }
0xa4: {  	_ =	swait.ge [sflag:s22], s20  }
0xa5: {  	s6 =	ssub.s32 $0x0, s20;
	[sflag:s22] =	ssyncset.done $0x0  }
0xa6: {  	[sflag:s22] =	ssyncadd.s32 s6;
	_ =	sdelay $0x1  }
0xa7: {  	s23 =	simm.s32 $0x1B8B  }
0xa8: {  	_ =	swait.ge [sflag:s23], $0x1  }
0xa9: {  	[sflag:s23] =	ssyncset.done $0x0  }
0xaa: {  	s25 =	simm.s32 $0x1B8E;
	s24 =	sld [smem:$0x3FFE];
	[sflag:s23] =	ssyncadd.s32 $0xFFFFFFFF  }
0xab: {  	s26 =	simm.s32 $execute0_lowered;
	[smem:$0x3FD2] =	sst s25  }
0xac: {  	s7 =	sshll.u32 s26, $0x1;
	_ =	strace $0x80000046;
	[dreg:$0x1] =	wrdreg $0xFFFFFFFF  }
0xad: {  	s28 =	simm.s32 $_size_execute0_lowered;
	s5 =	sadd.s32 s5, s7;
	[dreg:$0x0] =	wrdreg $0x0  }
0xae: {  	s7 =	sshll.u32 s28, $0x1;
	[dreg:$0x2] =	wrdreg s5  }
0xaf: {  	[dreg:$0x3] =	wrdreg s7  }
0xb0: {  	[dreg:$0x4] =	wrdreg $0xC0  }
0xb1: {  	_ =	task [dreg:s9], $0x5FFFF  }
0xb2: {  	[dreg:$0x1] =	wrdreg $0xFFFFFFFF  }
0xb3: {  	[dreg:$0x0] =	wrdreg $0x60  }
0xb4: {  	[dreg:$0x2] =	wrdreg s24  }
0xb5: {  	[dreg:$0x3] =	wrdreg s16  }
0xb6: {  	[dreg:$0x4] =	wrdreg s17  }
0xb7: {  	[dreg:$0x5] =	wrdreg s18  }
0xb8: {  	[dreg:$0x6] =	wrdreg $0x11800  }
0xb9: {  	[dreg:$0x7] =	wrdreg $0x9  }
0xba: {  	_ =	task.clear_ibuf [dreg:s9], $0x8FFFF;
	_ =	strace $0x90000046  }
0xbb: {  	s29 =	simm.s32 $0x9;
	_ =	strace $0x80000048  }
0xbc: {  	_ =	swait.ge [sflag:s29], $0x1  }
0xbd: {  	[sflag:s29] =	ssyncadd.s32 $0xFFFFFFFF  }
0xbe: {  	_ =	strace $0x90000048  }
0xbf: {  	_ =	sfence  }
0xc0: {  	s30 =	sld [smem:$0x0];
	_ =	sdelay $0x2  }
0xc1: {  	s31 =	sshll.u32 s1, $0xD;
	s1 =	sshrl.u32 s1, $0x2  }
0xc2: {  	s3 =	sand.u32 $0x4000, s31;
	s1 =	sadd.s32 s1, s30  }
0xc3: {  	s0 =	sor.u32 s3, s0;
	s1 =	sshll.u32 s1, $0x11  }
0xc4: {  	s0 =	sor.u32 s1, s0  }
0xc5: {  	s0 =	sadd.s32 $0x8F2B, s0  }
0xc6: {  	[sflag:s0] =	ssyncadd.remote.s32 $0x1  }
0xc7: {  	_ =	sfence.sel $0xFFFF  }
0xc8: {  	[dreg:$0x0] =	wrdreg $0xFFFFFFFF;
	(pc) =	sbr.abs _section_cstart, $3  }
0xc9: {  	[dreg:$0x1] =	wrdreg $0xFFFFFFFF  }
0xca: {  	_ =	task.clear_ibuf [dreg:s9], $0x2FFFF;
	_ =	strace $0x9FFFFFFF  }
0xcb: {  	(tm) =	ssettm $0x7FFFFFFF  }
tec
execute0_lowered:
.L_overlay_start_1:
0x0: {  	(tag) =	ssettag $0x1  }
0x1: {  	s4 =	rddreg [dreg:$0x0];
	s5 =	srdreg.scid  }
0x2: {  	s10 =	rddreg [dreg:$0x1];
	s24 =	sand.u32 $0x1, s5  }
0x3: {  	s9 =	rddreg [dreg:$0x2];
	s6 =	ssub.s32 $0x2, s24  }
0x4: {  	s11 =	rddreg [dreg:$0x3];
	p0 =	seq.s32 s24, $0x1;
	s8 =	sshrl.u32 s6, $0x1  }
0x5: {  	s2 =	stileid.u32;
	s14 =	ssub.s32 s6, s8;
	s6 =	simm.s32 @!p0 $0x0  }
0x6: {  	s1 =	rddreg [dreg:$0x4];
	s6 =	simm.s32 @p0 $0x1;
	p0 =	seq.s32 s2, $0xF  }
0x7: {  	s0 =	rddreg [dreg:$0x5];
	s3 =	simm.s32 $0x0;
	s18 =	simm.s32 @!p0 $0x0  }
0x8: {  	[smem:$0x7FF] =	sst s3;
	s18 =	simm.s32 @p0 $0x1;
	p0 =	sgt.u32 s2, $0xD  }
0x9: {  	_ =	strace $0x80000047;
	[smem:$0x7EF] =	sst s18;
	s18 =	simm.s32 @!p0 $0x0  }
0xa: {  	s18 =	simm.s32 @p0 $0x1;
	p0 =	sgt.u32 s2, $0xC  }
0xb: {  	s16 =	simm.s32 $0x880;
	[smem:$0x7F0] =	sst s18;
	s18 =	simm.s32 @!p0 $0x0  }
0xc: {  	s17 =	simm.s32 $0x800;
	s18 =	simm.s32 @p0 $0x1;
	p0 =	sgt.u32 s2, $0xB  }
0xd: {  	s19 =	simm.s32 $0x900;
	[smem:$0x7F1] =	sst s18;
	s18 =	simm.s32 @!p0 $0x0  }
0xe: {  	s20 =	simm.s32 $0x80;
	s18 =	simm.s32 @p0 $0x1;
	p0 =	sgt.u32 s2, $0xA  }
0xf: {  	s21 =	simm.s32 $0x100;
	[smem:$0x7F2] =	sst s18;
	s18 =	simm.s32 @!p0 $0x0  }
0x10: {  	s22 =	simm.s32 $0x600;
	s18 =	simm.s32 @p0 $0x1;
	p0 =	sgt.u32 s2, $0x9  }
0x11: {  	s23 =	simm.s32 $0x0;
	[smem:$0x7F3] =	sst s18;
	s18 =	simm.s32 @!p0 $0x0  }
0x12: {  	s7 =	sshll.u32 s2, $0x6;
	s18 =	simm.s32 @p0 $0x1;
	p0 =	sgt.u32 s2, $0x8  }
0x13: {  	s12 =	sadd.s32 $0x1000, s4;
	s30 =	sshll.u32 s2, $0x7;
	s25 =	simm.s32 @!p0 $0x0  }
0x14: {  	s5 =	sshll.u32 s24, $0xA;
	s25 =	simm.s32 @p0 $0x1;
	p0 =	sgt.u32 s2, $0x7  }
0x15: {  	s15 =	sshll.u32 s24, $0x4;
	[smem:$0x7F5] =	sst s25;
	s25 =	simm.s32 @!p0 $0x0  }
0x16: {  	s5 =	sor.u32 s7, s5;
	s25 =	simm.s32 @p0 $0x1;
	p0 =	sgt.u32 s2, $0x6  }
0x17: {  	s31 =	sor.u32 s15, s30;
	[smem:$0x7F6] =	sst s25;
	s25 =	simm.s32 @!p0 $0x0  }
0x18: {  	s15 =	simm.s32 $0x200;
	s25 =	simm.s32 @p0 $0x1;
	p0 =	sgt.u32 s2, $0x5  }
0x19: {  	s13 =	sadd.s32 s5, s4;
	[smem:$0x7F7] =	sst s25;
	s25 =	simm.s32 @!p0 $0x0  }
0x1a: {  	s4 =	sadd.s32 s12, s5;
	s25 =	simm.s32 @p0 $0x1;
	p0 =	sgt.u32 s2, $0x4  }
0x1b: {  	s9 =	sadd.s32 s9, s31;
	[smem:$0x7F8] =	sst s25;
	s25 =	simm.s32 @!p0 $0x0  }
0x1c: {  	s10 =	sadd.s32 s10, s31;
	s25 =	simm.s32 @p0 $0x1;
	p0 =	sgt.u32 s2, $0x3  }
0x1d: {  	s11 =	sadd.s32 s11, s31;
	[smem:$0x7F9] =	sst s25;
	s25 =	simm.s32 @!p0 $0x0  }
0x1e: {  	s5 =	sadd.s32 $0x1800, s13;
	s25 =	simm.s32 @p0 $0x1;
	p0 =	sgt.u32 s2, $0x2  }
0x1f: {  	v0 =	vmov s24;
	s13 =	simm.s32 $0x1;
	[smem:$0x7EE] =	sst s6;
	s24 =	simm.s32 @!p0 $0x0  }
0x20: {  	s6 =	sadd.s32 s7, s1;
	s24 =	simm.s32 @p0 $0x1;
	p0 =	sgt.u32 s2, $0x1  }
0x21: {  	s7 =	sadd.s32 s12, s7;
	[smem:$0x7FB] =	sst s24;
	s24 =	simm.s32 @!p0 $0x0  }
0x22: {  	[smem:$0x7F4] =	sst s18;
	s24 =	simm.s32 @p0 $0x1;
	p0 =	seq.s32 s2, $0x0  }
0x23: {  	s12 =	smax.u32 s14, $0x1;
	[smem:$0x7FC] =	sst s24;
	s24 =	simm.s32 @!p0 $0x0  }
0x24: {  	s14 =	simm.s32 $0x400;
	[smem:$0x7FA] =	sst s25;
	s24 =	simm.s32 @p0 $0x1  }
0x25: {  	[tilespmem:$0x1FFF0] =	vst v0;
	s8 =	sadd.s32 $0x400, s6;
	s18 =	simm.s32 $0x980;
	[smem:$0x7FD] =	sst s24  }
.LBB2_1:
0x26: {  	[tilespmem:s3], [sflag:$0x1] =	stream.linear.gather [hbm4b:s4+s3], $0x200, $0x38;
	[tilespmem:$0x1200] =	vst v63  }
0x27: {  	_ =	swait.ge [sflag:s13], $0x200  }
0x28: {  	[sflag:s13] =	ssyncset.done $0x0  }
0x29: {  	[sflag:s13] =	ssyncadd.s32 $0xFFFFFE00  }
0x2a: {  	[tilespmem:s14], [sflag:$0x1] =	stream.linear.gather [hbm4b:s5+s3], $0x200, $0x38;
	[tilespmem:$0x1200] =	vst v63  }
0x2b: {  	_ =	swait.ge [sflag:s13], $0x200  }
0x2c: {  	[sflag:s13] =	ssyncset.done $0x0  }
0x2d: {  	v0 =	vimm.s32 $0x0;
	s24 =	sld [smem:$0x7EE];
	[sflag:s13] =	ssyncadd.s32 $0xFFFFFE00  }
0x2e: {  	[tilespmem:$0x800] =	vst v0  }
0x2f: {  	[tilespmem:$0x880] =	vst v0  }
0x30: {  	[tilespmem:$0x810] =	vst v0;
	p2 =	seq.s32 s24, $0x1  }
.Ltmp0:
0x31: {  	[tilespmem:$0x890] =	vst v0;
	(pc) =	sbr.rel @!p2 .LBB2_5-.Ltmp0, $4  }
0x32: {  	[tilespmem:$0x820] =	vst v0  }
0x33: {  	[tilespmem:$0x8A0] =	vst v0  }
0x34: {  	[tilespmem:$0x830] =	vst v0  }
0x35: {  	[tilespmem:$0x8B0] =	vst v0  }
0x36: {  	s24 =	simm.s32 $0x0  }
0x37: {  	[tilespmem:s15], [sflag:$0x1] =	stream.linear.gather [hbm4b:s7+s24], $0x200, $0x38;
	[tilespmem:$0x1200] =	vst v63  }
0x38: {  	_ =	swait.ge [sflag:s13], $0x200  }
0x39: {  	[sflag:s13] =	ssyncset.done $0x0  }
0x3a: {  	s25 =	simm.s32 $0x0;
	s24 =	simm.s32 $0x40;
	[sflag:s13] =	ssyncadd.s32 $0xFFFFFE00  }
.LBB2_3:
0x3b: {  	p2 =	sne.s32 s24, $0x7C0;
	v2 =	vld [tilespmem:s25+$0x200];
	_ =	sdelay $0x4  }
0x3c: {  	(xrf1) =	vunique.msk.u32 $0xffff, v2;
	_ =	sdelay $0xc  }
0x3d: {  	v3 =	vld.idx.msk [tilespmem:v2+s16+$0x0], $0xffff  }
0x3e: {  	_, v4, vm0 =	vpop (xrf1);
	_ =	sdelay $0x1  }
.Ltmp1:
0x3f: {  	(pc) =	sbr.rel @p2 .LBB2_3-.Ltmp1, $3  }
0x40: {  	_ =	sdelay $0x1  }
0x41: {  	v3 =	vadd.s32 v3, v4  }
0x42: {  	s25 =	sshra.s32 s24, $0x2;
	s24 =	sadd.s32 $0x40, s24;
	[tilespmem:v2+s16+$0x0] =	vst.idx.msk vm0, v3  }
0x43: {  	v2 =	vld [tilespmem:s25+$0x200];
	_ =	sdelay $0x4  }
0x44: {  	(xrf1) =	vunique.msk.u32 $0xffff, v2;
	_ =	sdelay $0xd  }
0x45: {  	v3 =	vld.idx.msk [tilespmem:v2+s16+$0x0], $0xffff;
	_, v4, vm0 =	vpop (xrf1);
	_ =	sdelay $0x4  }
0x46: {  	v3 =	vadd.s32 v3, v4  }
0x47: {  	[tilespmem:v2+s16+$0x0] =	vst.idx.msk vm0, v3  }
.LBB2_5:
0x48: {  	s26 =	simm.s32 $0x0  }
0x49: {  	v2 =	vld [tilespmem:s26+$0x0];
	_ =	sdelay $0x4  }
0x4a: {  	(xrf1) =	vunique.msk.u32 $0xffff, v2;
	_ =	sdelay $0xa  }
0x4b: {  	v3 =	vld.idx.msk [tilespmem:v2+s17+$0x0], $0xffff;
	_ =	sdelay $0x2  }
0x4c: {  	_, v4, vm0 =	vpop (xrf1);
	_ =	sdelay $0x1  }
0x4d: {  	v3 =	vadd.s32 v3, v4  }
0x4e: {  	v4 =	vadd.s32 $0xFFFFFFFF, v3  }
0x4f: {  	s24 =	simm.s32 $0x40;
	s25 =	simm.s32 $0x80;
	[tilespmem:s26+$0x600] =	vst v4  }
.LBB2_6:
0x50: {  	p2 =	sne.s32 s25, $0x7C0  }
0x51: {  	s26 =	sshra.s32 s24, $0x2;
	[tilespmem:v2+s17+$0x0] =	vst.idx.msk vm0, v3;
	s24 =	smov.u32 s25;
	s25 =	sadd.s32 $0x40, s25  }
0x52: {  	v2 =	vld [tilespmem:s26+$0x0];
	_ =	sdelay $0x4  }
0x53: {  	(xrf1) =	vunique.msk.u32 $0xffff, v2;
	_ =	sdelay $0xa  }
0x54: {  	v3 =	vld.idx.msk [tilespmem:v2+s17+$0x0], $0xffff;
	_ =	sdelay $0x2  }
0x55: {  	_, v4, vm0 =	vpop (xrf1)  }
.Ltmp2:
0x56: {  	(pc) =	sbr.rel @p2 .LBB2_6-.Ltmp2, $4  }
0x57: {  	_ = 	snop  }
0x58: {  	v3 =	vadd.s32 v3, v4  }
0x59: {  	v4 =	vadd.s32 $0xFFFFFFFF, v3  }
0x5a: {  	[tilespmem:s26+$0x600] =	vst v4  }
0x5b: {  	_ =	sdelay $0x4  }
0x5c: {  	s24 =	sshra.s32 s24, $0x2;
	[tilespmem:v2+s17+$0x0] =	vst.idx.msk vm0, v3  }
0x5d: {  	v2 =	vld [tilespmem:s24+$0x0];
	_ =	sdelay $0x4  }
0x5e: {  	(xrf1) =	vunique.msk.u32 $0xffff, v2;
	_ =	sdelay $0xb  }
0x5f: {  	v3 =	vld.idx.msk [tilespmem:v2+s17+$0x0], $0xffff;
	_ =	sdelay $0x1  }
0x60: {  	_, v4, vm15 =	vpop (xrf1);
	_ =	sdelay $0x2  }
0x61: {  	v3 =	vadd.s32 v3, v4  }
0x62: {  	v4 =	vadd.s32 $0xFFFFFFFF, v3  }
0x63: {  	[tilespmem:s24+$0x600] =	vst v4  }
0x64: {  	[tilespmem:v2+s17+$0x0] =	vst.idx.msk vm15, v3  }
0x65: {  	[spmem:s6] =	stream.linear.scatter [tilespmem:s17], [sflag:$0x1], $0x40, $0x38;
	[tilespmem:$0x1200] =	vst v63  }
0x66: {  	_ =	swait.ge [sflag:s13], $0x40  }
0x67: {  	[sflag:s13] =	ssyncset.done $0x0  }
0x68: {  	[sflag:s13] =	ssyncadd.s32 $0xFFFFFFC0  }
0x69: {  	[spmem:s8] =	stream.linear.scatter [tilespmem:s16], [sflag:$0x1], $0x40, $0x38;
	[tilespmem:$0x1200] =	vst v63  }
0x6a: {  	_ =	swait.ge [sflag:s13], $0x40  }
0x6b: {  	[sflag:s13] =	ssyncset.done $0x0  }
0x6c: {  	[sflag:s13] =	ssyncadd.s32 $0xFFFFFFC0  }
0x6d: {  	[bflag:$0x0] =	sbarrier.arrive $0xFFFF  }
0x6e: {  	[tilespmem:s18], [sflag:$0x1] =	stream.linear.gather [spmem:s1], $0x800, $0x38;
	[tilespmem:$0x1200] =	vst v63  }
0x6f: {  	_ =	swait.ge [sflag:s13], $0x800  }
0x70: {  	[sflag:s13] =	ssyncset.done $0x0  }
0x71: {  	[sflag:s13] =	ssyncadd.s32 $0xFFFFF800  }
0x72: {  	v7 =	vld [tilespmem:$0x980]  }
0x73: {  	v8 =	vld [tilespmem:$0xD80]  }
0x74: {  	v10 =	vld [tilespmem:$0x9C0]  }
0x75: {  	v11 =	vld [tilespmem:$0xDC0]  }
0x76: {  	v12 =	vld [tilespmem:$0xA00]  }
0x77: {  	v13 =	vld [tilespmem:$0xE00]  }
0x78: {  	v14 =	vld [tilespmem:$0xA40]  }
0x79: {  	v15 =	vld [tilespmem:$0xE40]  }
0x7a: {  	v16 =	vld [tilespmem:$0xA80]  }
0x7b: {  	v17 =	vld [tilespmem:$0xE80]  }
0x7c: {  	v18 =	vld [tilespmem:$0xAC0]  }
0x7d: {  	v19 =	vld [tilespmem:$0xEC0]  }
0x7e: {  	v20 =	vld [tilespmem:$0xB00]  }
0x7f: {  	v21 =	vld [tilespmem:$0xF00]  }
0x80: {  	v22 =	vld [tilespmem:$0xB40]  }
0x81: {  	v23 =	vld [tilespmem:$0xF40]  }
0x82: {  	v24 =	vld [tilespmem:$0xB80]  }
0x83: {  	v25 =	vld [tilespmem:$0xF80]  }
0x84: {  	v26 =	vld [tilespmem:$0xBC0]  }
0x85: {  	v27 =	vld [tilespmem:$0xFC0]  }
0x86: {  	v28 =	vld [tilespmem:$0xC00]  }
0x87: {  	v29 =	vld [tilespmem:$0x1000]  }
0x88: {  	v30 =	vld [tilespmem:$0xC40]  }
0x89: {  	v31 =	vld [tilespmem:$0x1040]  }
0x8a: {  	v32 =	vld [tilespmem:$0xC80]  }
0x8b: {  	v33 =	vld [tilespmem:$0x1080]  }
0x8c: {  	v34 =	vld [tilespmem:$0xCC0]  }
0x8d: {  	v35 =	vld [tilespmem:$0x10C0]  }
0x8e: {  	v36 =	vld [tilespmem:$0xD00]  }
0x8f: {  	v37 =	vld [tilespmem:$0x1100]  }
0x90: {  	v0 =	vld [tilespmem:$0x1140]  }
0x91: {  	v38 =	vld [tilespmem:$0x990]  }
0x92: {  	v39 =	vld [tilespmem:$0xD90]  }
0x93: {  	v40 =	vld [tilespmem:$0x9D0]  }
0x94: {  	v41 =	vld [tilespmem:$0xDD0]  }
0x95: {  	v42 =	vld [tilespmem:$0xA10]  }
0x96: {  	v43 =	vld [tilespmem:$0xE10]  }
0x97: {  	v44 =	vld [tilespmem:$0xA50]  }
0x98: {  	v45 =	vld [tilespmem:$0xE50]  }
0x99: {  	v46 =	vld [tilespmem:$0xA90]  }
0x9a: {  	v47 =	vld [tilespmem:$0xE90]  }
0x9b: {  	v48 =	vld [tilespmem:$0xAD0]  }
0x9c: {  	v49 =	vld [tilespmem:$0xED0]  }
0x9d: {  	v50 =	vld [tilespmem:$0xB10]  }
0x9e: {  	v51 =	vld [tilespmem:$0xF10]  }
0x9f: {  	v52 =	vld [tilespmem:$0xB50]  }
0xa0: {  	v53 =	vld [tilespmem:$0xF50]  }
0xa1: {  	v54 =	vld [tilespmem:$0xB90]  }
0xa2: {  	v55 =	vld [tilespmem:$0xF90]  }
0xa3: {  	v56 =	vld [tilespmem:$0xBD0]  }
0xa4: {  	v57 =	vld [tilespmem:$0xFD0]  }
0xa5: {  	v58 =	vld [tilespmem:$0xC10]  }
0xa6: {  	v59 =	vld [tilespmem:$0x1010]  }
0xa7: {  	v60 =	vld [tilespmem:$0xC50]  }
0xa8: {  	v61 =	vld [tilespmem:$0x1050]  }
0xa9: {  	[tilespmem:$0x1FFA0] =	vst v0;
	v0 =	vld [tilespmem:$0xDA0]  }
0xaa: {  	s26 =	sld [smem:$0x7FD];
	v62 =	vld [tilespmem:$0xC90]  }
0xab: {  	s28 =	sld [smem:$0x7FC];
	v63 =	vld [tilespmem:$0x1090]  }
0xac: {  	s29 =	sld [smem:$0x7FB];
	v4 =	vld [tilespmem:$0xCD0]  }
0xad: {  	s30 =	sld [smem:$0x7FA];
	v1 =	vld [tilespmem:$0x10D0]  }
0xae: {  	s31 =	sld [smem:$0x7F9];
	[tilespmem:$0x1FFB0] =	vst v0;
	v0 =	vld [tilespmem:$0xDE0]  }
0xaf: {  	s25 =	sld [smem:$0x7F8];
	v5 =	vld [tilespmem:$0xD10]  }
0xb0: {  	v2 =	vld [tilespmem:$0x1110];
	p6 =	seq.s32 s26, $0x1;
	s26 =	sld [smem:$0x7F7];
	v8 =	vadd.s32 v8, v11  }
0xb1: {  	v3 =	vld [tilespmem:$0x1150];
	p0 =	seq.s32 s28, $0x1;
	s28 =	sld [smem:$0x7F6];
	v8 =	vadd.s32 v13, v8  }
0xb2: {  	v9 =	vld [tilespmem:$0x9A0];
	p3 =	seq.s32 s29, $0x1;
	s29 =	sld [smem:$0x7F5];
	v8 =	vadd.s32 v15, v8  }
0xb3: {  	p5 =	seq.s32 s30, $0x1;
	s30 =	sld [smem:$0x7F4];
	v8 =	vadd.s32 v17, v8;
	[tilespmem:$0x1FFC0] =	vst v0;
	v0 =	vld [tilespmem:$0xA20]  }
0xb4: {  	v6 =	vld [tilespmem:$0x9E0];
	p2 =	seq.s32 s31, $0x1;
	s31 =	sld [smem:$0x7F3];
	v8 =	vadd.s32 v19, v8  }
0xb5: {  	v11 =	vpsel !p5, $0x0, v14;
	p5 =	seq.s32 s25, $0x1;
	v14 =	vld [tilespmem:$0xAE0];
	s25 =	sld [smem:$0x7F2];
	v8 =	vadd.s32 v21, v8  }
0xb6: {  	p4 =	seq.s32 s26, $0x1;
	p1 =	seq.s32 s28, $0x1;
	s26 =	sld [smem:$0x7F1];
	v13 =	vld [tilespmem:$0xEA0];
	v8 =	vadd.s32 v23, v8  }
0xb7: {  	s28 =	sld [smem:$0x7F0];
	v10 =	vpsel !p0, $0x0, v10;
	p0 =	seq.s32 s31, $0x1;
	v15 =	vld [tilespmem:$0xEE0];
	v21 =	vpsel !p1, $0x0, v22;
	p1 =	seq.s32 s29, $0x1;
	v8 =	vadd.s32 v25, v8  }
0xb8: {  	v22 =	vpsel !p1, $0x0, v24;
	v24 =	vpsel !p0, $0x0, v28;
	p0 =	seq.s32 s25, $0x1;
	v8 =	vadd.s32 v27, v8;
	[tilespmem:$0x1FFD0] =	vst v0;
	v0 =	vld [tilespmem:$0xE20]  }
0xb9: {  	v17 =	vld [tilespmem:$0xF20];
	p1 =	seq.s32 s30, $0x1;
	v25 =	vpsel !p0, $0x0, v30;
	p0 =	seq.s32 s26, $0x1;
	v8 =	vadd.s32 v29, v8  }
0xba: {  	v19 =	vld [tilespmem:$0xF60];
	v23 =	vpsel !p1, $0x0, v26;
	v26 =	vpsel !p0, $0x0, v32;
	p0 =	seq.s32 s28, $0x1;
	v8 =	vadd.s32 v31, v8  }
0xbb: {  	s29 =	sld [smem:$0x7EF];
	v27 =	vpsel !p0, $0x0, v34;
	v34 =	vpsel !p2, $0x0, v46;
	v46 =	vld [tilespmem:$0x1FFB0];
	v8 =	vadd.s32 v33, v8  }
0xbc: {  	s30 =	sld [smem:$0x7FC];
	v8 =	vadd.s32 v35, v8;
	v35 =	vpsel !p5, $0x0, v48;
	v48 =	vld [tilespmem:$0x1FFD0]  }
0xbd: {  	s31 =	sld [smem:$0x7FA];
	[tilespmem:$0x1FFE0] =	vst v0;
	v0 =	vpsel p6, $0x0, v7;
	v7 =	vld [tilespmem:$0xA60]  }
0xbe: {  	v12 =	vpsel !p3, $0x0, v12;
	p0 =	seq.s32 s29, $0x1;
	v0 =	vadd.s32 v0, v10;
	v10 =	vld [tilespmem:$0xE60]  }
0xbf: {  	v30 =	vpsel p6, $0x0, v38;
	v28 =	vpsel !p0, $0x0, v36;
	v36 =	vpsel !p4, $0x0, v50;
	p6 =	seq.s32 s30, $0x1;
	v50 =	vld [tilespmem:$0x1FFE0]  }
0xc0: {  	v31 =	vpsel !p6, $0x0, v40;
	p6 =	seq.s32 s31, $0x1;
	v0 =	vadd.s32 v12, v0;
	v12 =	vld [tilespmem:$0xAA0]  }
0xc1: {  	v16 =	vpsel !p2, $0x0, v16;
	v29 =	vadd.s32 v39, v41;
	v33 =	vpsel !p6, $0x0, v44;
	v44 =	vld [tilespmem:$0xDB0]  }
0xc2: {  	v0 =	vadd.s32 v11, v0;
	v11 =	vadd.s32 v37, v8;
	v8 =	vadd.s32 v43, v29;
	v29 =	vld [tilespmem:$0x1060]  }
0xc3: {  	v0 =	vadd.s32 v16, v0;
	v16 =	vld [tilespmem:$0xB20]  }
0xc4: {  	v18 =	vpsel !p5, $0x0, v18;
	v8 =	vadd.s32 v45, v8;
	v45 =	vld [tilespmem:$0x1FFA0]  }
0xc5: {  	v0 =	vadd.s32 v18, v0;
	v18 =	vld [tilespmem:$0xB60]  }
0xc6: {  	v20 =	vpsel !p4, $0x0, v20;
	v8 =	vadd.s32 v47, v8;
	v47 =	vld [tilespmem:$0x1FFC0]  }
0xc7: {  	v0 =	vadd.s32 v20, v0;
	v20 =	vld [tilespmem:$0xBA0]  }
0xc8: {  	v8 =	vadd.s32 v49, v8;
	v49 =	vld [tilespmem:$0xE70]  }
0xc9: {  	v0 =	vadd.s32 v21, v0;
	v21 =	vld [tilespmem:$0xFA0]  }
0xca: {  	v8 =	vadd.s32 v51, v8;
	v51 =	vld [tilespmem:$0xAB0]  }
0xcb: {  	v0 =	vadd.s32 v22, v0;
	v22 =	vld [tilespmem:$0xBE0]  }
0xcc: {  	s26 =	sld [smem:$0x7F5];
	v8 =	vadd.s32 v53, v8;
	v53 =	vld [tilespmem:$0xEB0]  }
0xcd: {  	v32 =	vpsel !p3, $0x0, v42;
	s29 =	sld [smem:$0x7F2];
	v0 =	vadd.s32 v23, v0;
	v23 =	vld [tilespmem:$0xFE0]  }
0xce: {  	s28 =	sld [smem:$0x7F3];
	v39 =	vpsel !p1, $0x0, v56;
	v8 =	vadd.s32 v55, v8;
	v55 =	vld [tilespmem:$0xAF0];
	v0 =	vadd.s32 v24, v0  }
0xcf: {  	s25 =	sld [smem:$0x7F6];
	p4 =	seq.s32 s26, $0x1;
	v5 =	vpsel !p0, $0x0, v5;
	v24 =	vld [tilespmem:$0xC20];
	v0 =	vadd.s32 v25, v0;
	v25 =	vadd.s32 v30, v31  }
0xd0: {  	v38 =	vpsel !p4, $0x0, v54;
	p4 =	seq.s32 s29, $0x1;
	s30 =	sld [smem:$0x7F1];
	v8 =	vadd.s32 v57, v8;
	v57 =	vld [tilespmem:$0xEF0];
	v25 =	vadd.s32 v32, v25  }
0xd1: {  	p1 =	seq.s32 s28, $0x1;
	v54 =	vpsel !p5, $0x0, v14;
	v42 =	vpsel !p4, $0x0, v60;
	s31 =	sld [smem:$0x7F0];
	v30 =	vld [tilespmem:$0xCA0];
	v25 =	vadd.s32 v33, v25  }
0xd2: {  	p2 =	seq.s32 s25, $0x1;
	s26 =	sld [smem:$0x7FC];
	v40 =	vpsel !p1, $0x0, v58;
	v31 =	vld [tilespmem:$0x10A0];
	v8 =	vadd.s32 v59, v8;
	v25 =	vadd.s32 v34, v25  }
0xd3: {  	s29 =	sld [smem:$0x7F7];
	v37 =	vpsel !p2, $0x0, v52;
	p4 =	seq.s32 s30, $0x1;
	v59 =	vld [tilespmem:$0xB30];
	v41 =	vadd.s32 v61, v8;
	v25 =	vadd.s32 v35, v25  }
0xd4: {  	v43 =	vpsel !p4, $0x0, v62;
	p4 =	seq.s32 s31, $0x1;
	v32 =	vld [tilespmem:$0xCE0];
	v25 =	vadd.s32 v36, v25;
	v36 =	vadd.s32 v63, v41  }
0xd5: {  	s30 =	sld [smem:$0x7F5];
	v4 =	vpsel !p4, $0x0, v4;
	p4 =	seq.s32 s26, $0x1;
	v25 =	vadd.s32 v37, v25;
	v37 =	vld [tilespmem:$0x9B0];
	v1 =	vadd.s32 v1, v36  }
0xd6: {  	p5 =	seq.s32 s29, $0x1;
	s31 =	sld [smem:$0x7F4];
	v7 =	vpsel !p6, $0x0, v7;
	v6 =	vpsel !p4, $0x0, v6;
	v1 =	vadd.s32 v2, v1;
	v2 =	vld [tilespmem:$0x9F0]  }
0xd7: {  	s25 =	sld [smem:$0x7FD];
	v11 =	vadd.s32 v45, v11;
	v56 =	vpsel !p5, $0x0, v16;
	v25 =	vadd.s32 v38, v25;
	v38 =	vld [tilespmem:$0x1FFF0]  }
0xd8: {  	v58 =	vpsel !p2, $0x0, v18;
	p2 =	seq.s32 s30, $0x1;
	v25 =	vadd.s32 v39, v25;
	v1 =	vadd.s32 v3, v1;
	v3 =	vld [tilespmem:$0xDF0]  }
0xd9: {  	p5 =	seq.s32 s31, $0x1;
	v60 =	vpsel !p2, $0x0, v20;
	v0 =	vadd.s32 v26, v0;
	v8 =	vld [tilespmem:$0x1160];
	v25 =	vadd.s32 v40, v25  }
0xda: {  	p0 =	seq.s32 s25, $0x1;
	v61 =	vld [tilespmem:$0xF30];
	v0 =	vadd.s32 v27, v0;
	v62 =	vpsel !p5, $0x0, v22;
	v25 =	vadd.s32 v42, v25  }
0xdb: {  	v27 =	vld [tilespmem:$0x1020];
	v0 =	vadd.s32 v28, v0;
	v25 =	vadd.s32 v43, v25;
	v45 =	vpsel p0, $0x0, v37  }
0xdc: {  	v33 =	vld [tilespmem:$0x10E0];
	v11 =	vmul.u32 v38, v11;
	v4 =	vadd.s32 v4, v25;
	v1 =	vmul.u32 v38, v1  }
0xdd: {  	s28 =	sld [smem:$0x7F9];
	v25 =	vld [tilespmem:$0xA30];
	v2 =	vpsel !p4, $0x0, v2;
	v4 =	vadd.s32 v5, v4;
	v3 =	vadd.s32 v44, v3  }
0xde: {  	s30 =	sld [smem:$0x7FB];
	v5 =	vld [tilespmem:$0xE30];
	v0 =	vadd.s32 v11, v0;
	v1 =	vadd.s32 v1, v4;
	v4 =	vpsel p0, $0x0, v9  }
0xdf: {  	v9 =	vld [tilespmem:$0xA70];
	v11 =	vpsel !p3, $0x0, v48;
	v4 =	vadd.s32 v4, v6;
	v6 =	vadd.s32 v46, v47  }
0xe0: {  	s25 =	sld [smem:$0x7F2];
	v28 =	vld [tilespmem:$0xC60];
	v2 =	vadd.s32 v45, v2;
	p3 =	por p6, p6;
	p6 =	seq.s32 s28, $0x1;
	v4 =	vadd.s32 v11, v4;
	v6 =	vadd.s32 v50, v6  }
0xe1: {  	v34 =	vld [tilespmem:$0xD20];
	p4 =	seq.s32 s30, $0x1;
	v52 =	vpsel !p6, $0x0, v12;
	v4 =	vadd.s32 v7, v4;
	v6 =	vadd.s32 v10, v6  }
0xe2: {  	s31 =	sld [smem:$0x7F8];
	v35 =	vld [tilespmem:$0x1120];
	v46 =	vpsel !p4, $0x0, v25;
	v4 =	vadd.s32 v52, v4;
	v6 =	vadd.s32 v13, v6  }
0xe3: {  	p5 =	seq.s32 s25, $0x1;
	s25 =	sld [smem:$0x7F7];
	v63 =	vld [tilespmem:$0xB70];
	v3 =	vadd.s32 v5, v3;
	v2 =	vadd.s32 v46, v2;
	v4 =	vadd.s32 v54, v4  }
0xe4: {  	v41 =	vld [tilespmem:$0xBF0];
	v6 =	vadd.s32 v15, v6;
	v3 =	vadd.s32 v49, v3;
	v9 =	vpsel !p3, $0x0, v9  }
0xe5: {  	v39 =	vld [tilespmem:$0xFB0];
	v49 =	vpsel !p6, $0x0, v51;
	p3 =	seq.s32 s31, $0x1;
	v4 =	vadd.s32 v56, v4;
	v6 =	vadd.s32 v17, v6  }
0xe6: {  	v47 =	vld [tilespmem:$0xC70];
	p4 =	seq.s32 s25, $0x1;
	v3 =	vadd.s32 v53, v3;
	v2 =	vadd.s32 v9, v2;
	v51 =	vpsel !p3, $0x0, v55  }
0xe7: {  	v43 =	vld [tilespmem:$0xFF0];
	s30 =	sld [smem:$0x7F2];
	v53 =	vpsel !p4, $0x0, v59;
	v4 =	vadd.s32 v58, v4;
	v6 =	vadd.s32 v19, v6  }
0xe8: {  	v44 =	vld [tilespmem:$0xC30];
	s28 =	sld [smem:$0x7F0];
	v3 =	vadd.s32 v57, v3;
	v2 =	vadd.s32 v49, v2;
	v4 =	vadd.s32 v60, v4  }
0xe9: {  	s26 =	sld [smem:$0x7F1];
	v50 =	vld [tilespmem:$0xCB0];
	v6 =	vadd.s32 v21, v6;
	v3 =	vadd.s32 v61, v3;
	v2 =	vadd.s32 v51, v2  }
0xea: {  	s29 =	sld [smem:$0x7EF];
	p4 =	seq.s32 s30, $0x1;
	v4 =	vadd.s32 v62, v4;
	v6 =	vadd.s32 v23, v6;
	v23 =	vpsel !p1, $0x0, v24;
	v24 =	vld [tilespmem:$0xF70]  }
0xeb: {  	v48 =	vld [tilespmem:$0x1070];
	v61 =	vpsel !p4, $0x0, v47;
	p1 =	seq.s32 s28, $0x1;
	v2 =	vadd.s32 v53, v2;
	v4 =	vadd.s32 v23, v4  }
0xec: {  	v5 =	vld [tilespmem:$0x1030];
	v6 =	vadd.s32 v27, v6;
	v27 =	vpsel !p5, $0x0, v28;
	p5 =	seq.s32 s26, $0x1;
	v40 =	vpsel !p1, $0x0, v32  }
0xed: {  	v28 =	vld [tilespmem:$0xBB0];
	p1 =	seq.s32 s29, $0x1;
	s26 =	sld [smem:$0x7F6];
	v4 =	vadd.s32 v27, v4;
	v6 =	vadd.s32 v29, v6;
	v30 =	vpsel !p5, $0x0, v30  }
0xee: {  	v52 =	vld [tilespmem:$0x10B0];
	v42 =	vpsel !p1, $0x0, v34;
	v62 =	vpsel !p5, $0x0, v50;
	v4 =	vadd.s32 v30, v4  }
0xef: {  	v54 =	vld [tilespmem:$0xCF0];
	s28 =	sld [smem:$0x7F4];
	v6 =	vadd.s32 v31, v6;
	v4 =	vadd.s32 v40, v4;
	v3 =	vadd.s32 v24, v3  }
0xf0: {  	v56 =	vld [tilespmem:$0x10F0];
	s29 =	sld [smem:$0x7F3];
	v6 =	vadd.s32 v33, v6;
	p6 =	seq.s32 s26, $0x1;
	v4 =	vadd.s32 v42, v4;
	v3 =	vadd.s32 v39, v3  }
0xf1: {  	v58 =	vld [tilespmem:$0x1130];
	v6 =	vadd.s32 v35, v6;
	v55 =	vpsel !p6, $0x0, v63;
	v3 =	vadd.s32 v43, v3  }
0xf2: {  	s31 =	sld [smem:$0x7F0];
	v2 =	vadd.s32 v55, v2;
	v57 =	vpsel !p2, $0x0, v28;
	p2 =	seq.s32 s28, $0x1;
	v3 =	vadd.s32 v5, v3;
	v5 =	vld [tilespmem:$0x1170]  }
0xf3: {  	v60 =	vld [tilespmem:$0xD30];
	p3 =	seq.s32 s29, $0x1;
	v2 =	vadd.s32 v57, v2;
	v59 =	vpsel !p2, $0x0, v41;
	v3 =	vadd.s32 v48, v3  }
0xf4: {  	v7 =	vpsel !p3, $0x0, v44;
	v2 =	vadd.s32 v59, v2;
	v3 =	vadd.s32 v52, v3  }
0xf5: {  	p6 =	seq.s32 s31, $0x1;
	v6 =	vadd.s32 v8, v6;
	v2 =	vadd.s32 v7, v2;
	v3 =	vadd.s32 v56, v3  }
0xf6: {  	v63 =	vpsel !p6, $0x0, v54;
	v2 =	vadd.s32 v61, v2;
	v3 =	vadd.s32 v58, v3  }
0xf7: {  	v2 =	vadd.s32 v62, v2;
	v3 =	vadd.s32 v5, v3;
	v5 =	vmul.u32 v38, v6  }
0xf8: {  	[tilespmem:$0x900] =	vst v0;
	v0 =	vadd.s32 v63, v2;
	v2 =	vpsel !p1, $0x0, v60;
	v3 =	vmul.u32 v38, v3  }
0xf9: {  	[tilespmem:$0x910] =	vst v1;
	v0 =	vadd.s32 v2, v0;
	v1 =	vadd.s32 v5, v4  }
0xfa: {  	[tilespmem:$0x920] =	vst v1;
	v0 =	vadd.s32 v3, v0  }
0xfb: {  	s25 =	simm.s32 $0x0;
	[tilespmem:$0x930] =	vst v0  }
0xfc: {  	v0 =	vld [tilespmem:s25+$0x0];
	_ =	sdelay $0x5  }
0xfd: {  	s24 =	simm.s32 $0x10  }
0xfe: {  	v2 =	vld [tilespmem:s24+$0x0]  }
0xff: {  	s26 =	simm.s32 $0x80;
	v3 =	vld.idx.msk [tilespmem:v0+s19+$0x0], $0xffff  }
.LBB2_8:
0x100: {  	p2 =	sne.s32 s26, $0x7C0;
	v0 =	vld [tilespmem:s25+$0x600];
	_ =	sdelay $0x2  }
0x101: {  	v1 =	vmov v2  }
.Ltmp3:
0x102: {  	(pc) =	sbr.rel @p2 .LBB2_8-.Ltmp3, $4  }
0x103: {  	v0 =	vadd.s32 v0, v3  }
0x104: {  	[tilespmem:s25+$0x600] =	vst v0;
	s25 =	smov.u32 s24;
	s24 =	sshra.s32 s26, $0x2  }
0x105: {  	v2 =	vld [tilespmem:s24+$0x0]  }
0x106: {  	s26 =	sadd.s32 $0x40, s26;
	v3 =	vld.idx.msk [tilespmem:v1+s19+$0x0], $0xffff  }
0x107: {  	v0 =	vld [tilespmem:s25+$0x600];
	_ =	sdelay $0x4  }
0x108: {  	v0 =	vadd.s32 v0, v3  }
0x109: {  	[tilespmem:s25+$0x600] =	vst v0  }
0x10a: {  	v0 =	vld.idx.msk [tilespmem:v2+s19+$0x0], $0xffff  }
0x10b: {  	v1 =	vld [tilespmem:s24+$0x600];
	_ =	sdelay $0x4  }
0x10c: {  	v0 =	vadd.s32 v1, v0  }
0x10d: {  	[tilespmem:s24+$0x600] =	vst v0  }
0x10e: {  	[hbm4b:s9+s20] =	stream.strided.scatter [tilespmem:s22], [sflag:$0x1], $0x200, s21, s20, $0x38;
	[tilespmem:$0x1200] =	vst v63  }
0x10f: {  	_ =	swait.ge [sflag:s13], $0x200  }
0x110: {  	[sflag:s13] =	ssyncset.done $0x0  }
0x111: {  	[sflag:s13] =	ssyncadd.s32 $0xFFFFFE00  }
0x112: {  	[hbm4b:s10+s20] =	stream.strided.scatter [tilespmem:s3], [sflag:$0x1], $0x200, s21, s20, $0x38;
	[tilespmem:$0x1200] =	vst v63  }
0x113: {  	s23 =	sadd.s32 $0x1, s23;
	_ =	swait.ge [sflag:s13], $0x200  }
0x114: {  	p2 =	sne.s32 s23, s12;
	[sflag:s13] =	ssyncset.done $0x0  }
.Ltmp4:
0x115: {  	[sflag:s13] =	ssyncadd.s32 $0xFFFFFE00;
	(pc) =	sbr.rel @p2 .LBB2_1-.Ltmp4, $4  }
0x116: {  	[hbm4b:s11+s20] =	stream.strided.scatter [tilespmem:s14], [sflag:$0x1], $0x200, s21, s20, $0x38;
	[tilespmem:$0x1200] =	vst v63  }
0x117: {  	_ =	swait.ge [sflag:s13], $0x200  }
0x118: {  	[sflag:s13] =	ssyncset.done $0x0  }
0x119: {  	[sflag:s13] =	ssyncadd.s32 $0xFFFFFE00  }
0x11a: {  	_ =	sfence.sel $0x180000  }
0x11b: {  	[bflag:$0x0] =	sbarrier.arrive $0xFFFF  }
0x11c: {  	p0 =	sne.s32 s2, $0x0;
	_ =	strace $0x90000047  }
0x11d: {  	s0 =	sadd.s32 @!p0 $0x100000, s0;
	[bflag:$0x2] =	sbarrier.arrive $0xFFFF  }
0x11e: {  	[sflag:s0] =	ssyncadd.tile.s32 @!p0 $0x1;
	_ =	shalt  }
.Lfunc_end2:
_tile_overlayer_lowered:
.L_overlay_start_2:
0x11f: {  	(tag) =	ssettag $0x2  }
0x120: {  	s0 =	rddreg [dreg:$0x0];
	s2 =	stileid.u32  }
0x121: {  	s1 =	rddreg [dreg:$0x1];
	p0 =	sne.s32 s2, $0x0  }
0x122: {  	s3 =	rddreg [dreg:$0x2];
	[bflag:$0x3] =	sbarrier.arrive $0xFFFF;
	s2 =	simm.s32 @!p0 $0x1C01  }
0x123: {  	[timem:s3], [sflag:s2] =	dma.local @!p0 [hbm:s0], s1  }
0x124: {  	s0 =	simm.s32 @!p0 $0x1  }
0x125: {  	_ =	swait.ge @!p0 [sflag:s0], s1  }
0x126: {  	s1 =	ssub.s32 @!p0 $0x0, s1;
	[sflag:s0] =	ssyncset.done @!p0 $0x0  }
0x127: {  	[sflag:s0] =	ssyncadd.s32 @!p0 s1  }
0x128: {  	[bflag:$0x3] =	sbarrier.arrive $0xFFFF  }
0x129: {  	_ =	shalt  }

</sc_bundles>
